<compile_context>
chip_gen: v7x
topology: tpu7x:2x2x1
jax: 0.10.2.dev20260603
libtpu: 0.0.44.dev20260713+nightly
codegen_flags: <defaults>
</compile_context>

<pallas_src>
import functools

import jax
import jax.numpy as jnp
from jax import lax
from jax.experimental import pallas as pl
from jax.experimental.pallas import tpu as pltpu
from jax.experimental.pallas import tpu_sc as plsc

N = 10000
E = 320000
D = 128

NC = 2
NS = 16
NW = NC * NS
EPW = E // NW
CK = 128
NCH = EPW // CK
TAIL = EPW - NCH * CK

NSLAB = N // CK
ZTAIL = N - NSLAB * CK
SLABS_PER_TILE = -(-NSLAB // NS)

RB = 1000
GRID = N // RB

_mesh = plsc.VectorSubcoreMesh(core_axis_name="c", subcore_axis_name="s")


@functools.partial(
    pl.kernel,
    out_type=jax.ShapeDtypeStruct((NW * N,), jnp.float32),
    mesh=_mesh,
    scratch_types=[
        pltpu.VMEM((EPW,), jnp.int32),
        pltpu.VMEM((N,), jnp.float32),
    ],
    compiler_params=pltpu.CompilerParams(needs_layout_passes=False),
)
def _deg_kernel(dst_hbm, out_hbm, idx_v, hist_v):
    cid = lax.axis_index("c")
    sid = lax.axis_index("s")
    wid = sid * NC + cid

    zeros16 = jnp.zeros((16,), jnp.float32)

    def _zero(i, carry):
        hist_v[pl.ds(i * 16, 16)] = zeros16
        return carry

    lax.fori_loop(0, N // 16, _zero, 0)

    pltpu.sync_copy(dst_hbm.at[pl.ds(wid * EPW, EPW)], idx_v)

    ones16 = jnp.ones((16,), jnp.float32)

    def _accum(i, carry):
        idx = idx_v[pl.ds(i * 16, 16)]
        plsc.addupdate_scatter(hist_v, [idx], ones16)
        return carry

    lax.fori_loop(0, EPW // 16, _accum, 0)

    pltpu.sync_copy(hist_v, out_hbm.at[pl.ds(wid * N, N)])


def _mm_body(x_ref, w_ref, ht_ref, y_ref, dinv_ref):
    xw = jnp.dot(x_ref[...], w_ref[...], preferred_element_type=jnp.float32)
    deg = 1.0 + jnp.sum(ht_ref[...], axis=1, keepdims=True)
    dinv = lax.rsqrt(deg)
    y_ref[...] = xw * dinv
    dinv_ref[...] = dinv


_mm_call = pl.pallas_call(
    _mm_body,
    grid=(GRID,),
    in_specs=[
        pl.BlockSpec((RB, D), lambda i: (i, 0)),
        pl.BlockSpec((D, D), lambda i: (0, 0)),
        pl.BlockSpec((RB, NW), lambda i: (i, 0)),
    ],
    out_specs=[
        pl.BlockSpec((RB, D), lambda i: (i, 0)),
        pl.BlockSpec((RB, 1), lambda i: (i, 0)),
    ],
    out_shape=[
        jax.ShapeDtypeStruct((N, D), jnp.float32),
        jax.ShapeDtypeStruct((N, 1), jnp.float32),
    ],
)


@functools.partial(
    pl.kernel,
    out_type=jax.ShapeDtypeStruct((NC, N, D), jnp.float32),
    mesh=_mesh,
    scratch_types=[
        pltpu.VMEM((CK,), jnp.int32),
        pltpu.VMEM((CK,), jnp.int32),
        pltpu.VMEM((CK,), jnp.int32),
        pltpu.VMEM((CK,), jnp.int32),
        pltpu.VMEM((TAIL,), jnp.int32),
        pltpu.VMEM((TAIL,), jnp.int32),
        pltpu.VMEM((2, CK, D), jnp.float32),
        pltpu.VMEM_SHARED((N, D), jnp.float32),
        pltpu.SemaphoreType.DMA,
        pltpu.SemaphoreType.DMA,
        pltpu.SemaphoreType.DMA,
        pltpu.SemaphoreType.DMA,
    ],
    compiler_params=pltpu.CompilerParams(needs_layout_passes=False),
)
def _agg_kernel(y_hbm, src_hbm, dst_hbm, out_hbm,
                srcb0, dstb0, srcb1, dstb1, srct, dstt, rows_v, acc_sh,
                semg0, semg1, semi0, semi1):
    cid = lax.axis_index("c")
    sid = lax.axis_index("s")
    wid = sid * NC + cid

    zeros16 = jnp.zeros((16,), jnp.float32)
    vregs_per_row = D // 16

    def _zero(i, carry):
        r = i // vregs_per_row
        g = i % vregs_per_row
        rows_v[0, r, pl.ds(g * 16, 16)] = zeros16
        return carry

    lax.fori_loop(0, CK * vregs_per_row, _zero, 0)

    def _zslab(k, carry):
        slab = sid + NS * k

        @pl.when(slab < NSLAB)
        def _():
            pltpu.sync_copy(rows_v.at[0], acc_sh.at[pl.ds(slab * CK, CK)])

        return carry

    lax.fori_loop(0, SLABS_PER_TILE, _zslab, 0)

    @pl.when(sid == NS - 1)
    def _ztail():
        pltpu.sync_copy(
            rows_v.at[0, pl.ds(0, ZTAIL)], acc_sh.at[pl.ds(NSLAB * CK, ZTAIL)]
        )

    plsc.subcore_barrier()

    ebase = wid * EPW

    def _idx_copy(ci, sb, db, sem):
        pltpu.async_copy(src_hbm.at[pl.ds(ebase + ci * CK, CK)], sb, sem)
        pltpu.async_copy(dst_hbm.at[pl.ds(ebase + ci * CK, CK)], db, sem)

    def _idx_drain(sb, db, sem):
        pltpu.make_async_copy(src_hbm.at[pl.ds(0, CK)], sb, sem).wait()
        pltpu.make_async_copy(src_hbm.at[pl.ds(0, CK)], db, sem).wait()

    def _gather(sb, buf, sem):
        pltpu.async_copy(y_hbm.at[sb], rows_v.at[buf], sem)

    def _gdrain(buf, sem):
        pltpu.make_async_copy(y_hbm.at[pl.ds(0, CK)], rows_v.at[buf], sem).wait()

    def _scat(db, buf):
        pltpu.sync_copy(rows_v.at[buf], acc_sh.at[db], add=True)

    pltpu.sync_copy(src_hbm.at[pl.ds(ebase, CK)], srcb0)
    pltpu.sync_copy(dst_hbm.at[pl.ds(ebase, CK)], dstb0)
    _gather(srcb0, 0, semg0)
    pltpu.sync_copy(src_hbm.at[pl.ds(ebase + CK, CK)], srcb1)
    pltpu.sync_copy(dst_hbm.at[pl.ds(ebase + CK, CK)], dstb1)

    def _pair(g, carry):
        a = 2 * g
        _gather(srcb1, 1, semg1)
        _gdrain(0, semg0)
        _scat(dstb0, 0)

        @pl.when(a + 2 < NCH)
        def _():
            _idx_copy(a + 2, srcb0, dstb0, semi0)

        _gdrain(1, semg1)
        _scat(dstb1, 1)

        @pl.when(a + 2 < NCH)
        def _():
            _idx_drain(srcb0, dstb0, semi0)
            _gather(srcb0, 0, semg0)

        @pl.when(a + 3 < NCH)
        def _():
            _idx_copy(a + 3, srcb1, dstb1, semi1)
            _idx_drain(srcb1, dstb1, semi1)

        return carry

    lax.fori_loop(0, NCH // 2, _pair, 0)

    pltpu.sync_copy(src_hbm.at[pl.ds(ebase + NCH * CK, TAIL)], srct)
    pltpu.sync_copy(dst_hbm.at[pl.ds(ebase + NCH * CK, TAIL)], dstt)
    pltpu.async_copy(y_hbm.at[srct], rows_v.at[0, pl.ds(0, TAIL)], semg0).wait()
    pltpu.sync_copy(rows_v.at[0, pl.ds(0, TAIL)], acc_sh.at[dstt], add=True)
    plsc.subcore_barrier()

    def _flush(k, carry):
        slab = sid + NS * k

        @pl.when(slab < NSLAB)
        def _():
            pltpu.sync_copy(
                acc_sh.at[pl.ds(slab * CK, CK)],
                out_hbm.at[cid].at[pl.ds(slab * CK, CK)],
            )

        return carry

    lax.fori_loop(0, SLABS_PER_TILE, _flush, 0)

    @pl.when(sid == NS - 1)
    def _ftail():
        pltpu.sync_copy(
            acc_sh.at[pl.ds(NSLAB * CK, ZTAIL)],
            out_hbm.at[cid].at[pl.ds(NSLAB * CK, ZTAIL)],
        )


def _fin_body(agg_ref, y_ref, dinv_ref, b_ref, z_ref):
    s = agg_ref[0] + agg_ref[1] + y_ref[...]
    h = s * dinv_ref[...] + b_ref[...]
    zmax = jnp.max(h, axis=1, keepdims=True)
    zmin = jnp.min(h, axis=1, keepdims=True)
    z = (h - zmin) / (zmax - zmin)
    n2 = jnp.sqrt(jnp.sum(z * z, axis=1, keepdims=True))
    z_ref[...] = z / jnp.maximum(n2, 1e-12)


_fin_call = pl.pallas_call(
    _fin_body,
    grid=(GRID,),
    in_specs=[
        pl.BlockSpec((NC, RB, D), lambda i: (0, i, 0)),
        pl.BlockSpec((RB, D), lambda i: (i, 0)),
        pl.BlockSpec((RB, 1), lambda i: (i, 0)),
        pl.BlockSpec((1, D), lambda i: (0, 0)),
    ],
    out_specs=pl.BlockSpec((RB, D), lambda i: (i, 0)),
    out_shape=jax.ShapeDtypeStruct((N, D), jnp.float32),
)


def kernel(x, edge_index, W, b):
    src = edge_index[0]
    dst = edge_index[1]
    hist = _deg_kernel(dst).reshape(NW, N)
    y, dinv = _mm_call(x, W, hist.T)
    agg = _agg_kernel(y, src, dst)
    return _fin_call(agg, y, dinv, b.reshape(1, D))

# --- scband reference (transcript-rebuilt; emitter-appended) ---
"""Pipeline reference for scband-gcnencoder-scale-35201551958713 (READ-ONLY COPY).

The authoritative reference and input builder live on the scoring server;
editing this copy changes nothing except your own understanding.
"""

import jax, jax.numpy as jnp
import numpy as np

N = 10000
E = 320000
D_IN = 128
D_OUT = 128


def setup_inputs(seed: int = 0) -> dict:
    key = jax.random.key(seed)
    k1, k2, k3 = jax.random.split(key, 3)
    x = jax.random.normal(k1, (N, D_IN), dtype=jnp.float32)
    edge_index = jax.random.randint(k2, (2, E), 0, N, dtype=jnp.int32)
    # GCNConv linear weight (in_channels, out_channels) and bias (zeros init like PyG)
    W = jax.random.normal(k3, (D_IN, D_OUT), dtype=jnp.float32) * 0.05
    b = jnp.zeros((D_OUT,), dtype=jnp.float32)
    return {"x": x, "edge_index": edge_index, "W": W, "b": b}


def reference(x, edge_index, W, b):
    n = x.shape[0]
    src = edge_index[0]
    dst = edge_index[1]
    # add self loops
    loop = jnp.arange(n, dtype=src.dtype)
    src_f = jnp.concatenate([src, loop])
    dst_f = jnp.concatenate([dst, loop])
    # linear transform
    xw = x @ W
    # symmetric gcn normalization: deg computed at target nodes with self loops
    deg = jnp.zeros((n,), dtype=xw.dtype).at[dst_f].add(1.0)
    dinv = jnp.where(deg > 0, 1.0 / jnp.sqrt(deg), 0.0)
    norm = dinv[src_f] * dinv[dst_f]
    # message = norm * x_j ; aggregate = scatter-add at dst
    msg = xw[src_f] * norm[:, None]
    h = jnp.zeros((n, xw.shape[1]), dtype=xw.dtype).at[dst_f].add(msg)
    h = h + b
    # scale(): per-row min-max scaling
    zmax = jnp.max(h, axis=1, keepdims=True)
    zmin = jnp.min(h, axis=1, keepdims=True)
    z = (h - zmin) / (zmax - zmin)
    # F.normalize: L2 normalize per row with eps=1e-12 (clamp_min on norm)
    n2 = jnp.sqrt(jnp.sum(z * z, axis=1, keepdims=True))
    z = z / jnp.maximum(n2, 1e-12)
    return z

if __name__ == "__main__":
    import jax
    _d = setup_inputs()
    print(jax.jit(kernel)(*tuple(_d.values())))

</pallas_src>

<mosaic_0001>
#map = affine_map<(d0, d1) -> (0, 0)>
#map1 = affine_map<(d0, d1) -> (0)>
#map2 = affine_map<(d0, d1) -> (0, 0, 0)>
module attributes {stable_mosaic.version = 14 : i64} {
  func.func @_agg_kernel(%arg0: i32, %arg1: i32, %arg2: memref<10000x128xf32, #tpu.memory_space<hbm>>, %arg3: memref<320000xi32, #tpu.memory_space<hbm>>, %arg4: memref<320000xi32, #tpu.memory_space<hbm>>, %arg5: memref<2x10000x128xf32, #tpu.memory_space<hbm>>, %arg6: memref<128xi32, #tpu.memory_space<vmem>>, %arg7: memref<128xi32, #tpu.memory_space<vmem>>, %arg8: memref<128xi32, #tpu.memory_space<vmem>>, %arg9: memref<128xi32, #tpu.memory_space<vmem>>, %arg10: memref<16xi32, #tpu.memory_space<vmem>>, %arg11: memref<16xi32, #tpu.memory_space<vmem>>, %arg12: memref<2x128x128xf32, #tpu.memory_space<vmem>>, %arg13: memref<10000x128xf32, #tpu.memory_space<vmem_shared>>, %arg14: memref<!tpu.dma_semaphore, #tpu.memory_space<semaphore_mem>>, %arg15: memref<!tpu.dma_semaphore, #tpu.memory_space<semaphore_mem>>, %arg16: memref<!tpu.dma_semaphore, #tpu.memory_space<semaphore_mem>>, %arg17: memref<!tpu.dma_semaphore, #tpu.memory_space<semaphore_mem>>) attributes {dimension_semantics = [#tpu.dimension_semantics<core_parallel>, #tpu.dimension_semantics<subcore_parallel>], iteration_bounds = array<i64: 2, 16>, scalar_prefetch = 0 : i64, scratch_operands = 12 : i64, tpu.core_type = #tpu.core_type<sc_vector_subcore>, window_params = [{transform_indices = #map}, {transform_indices = #map1}, {transform_indices = #map1}, {transform_indices = #map2}]} {
    %mul3A = arith.constant 2 : i32
    %mul3A_0 = arith.muli %arg1, %mul3A : i32
    %add3A = arith.addi %mul3A_0, %arg0 : i32
    %broadcast_in_dim3A = arith.constant 0.000000e+00 : f32
    %broadcast_in_dim3A_1 = vector.broadcast %broadcast_in_dim3A : f32 to vector<16xf32>
    %scan3A = arith.constant 0 : i32
    %scan3A_2 = arith.constant 0 : i32
    %scan3A_3 = arith.constant 1024 : i32
    %scan3A_4 = arith.addi %scan3A_2, %scan3A_3 : i32
    %scan3A_5 = arith.constant 1 : i32
    scf.for %scan3A_65 = %scan3A_2 to %scan3A_4 step %scan3A_5  : i32 {
      %jit3A = arith.constant 8 : i32
      %div3A = arith.divsi %scan3A_65, %jit3A : i32
      %sign3A = arith.constant 0 : i32
      %sign3A_66 = arith.cmpi sgt, %scan3A_65, %sign3A : i32
      %sign3A_67 = arith.extui %sign3A_66 : i1 to i32
      %sign3A_68 = arith.constant 0 : i32
      %sign3A_69 = arith.cmpi slt, %scan3A_65, %sign3A_68 : i32
      %sign3A_70 = arith.extui %sign3A_69 : i1 to i32
      %sign3A_71 = arith.subi %sign3A_67, %sign3A_70 : i32
      %sign3A_72 = arith.constant 0 : i32
      %sign3A_73 = arith.cmpi sgt, %jit3A, %sign3A_72 : i32
      %sign3A_74 = arith.extui %sign3A_73 : i1 to i32
      %sign3A_75 = arith.constant 0 : i32
      %sign3A_76 = arith.cmpi slt, %jit3A, %sign3A_75 : i32
      %sign3A_77 = arith.extui %sign3A_76 : i1 to i32
      %sign3A_78 = arith.subi %sign3A_74, %sign3A_77 : i32
      %ne3A = arith.cmpi ne, %sign3A_71, %sign3A_78 : i32
      %rem3A = arith.remsi %scan3A_65, %jit3A : i32
      %ne3A_79 = arith.constant 0 : i32
      %ne3A_80 = arith.cmpi ne, %rem3A, %ne3A_79 : i32
      %and3A = arith.andi %ne3A, %ne3A_80 : i1
      %sub3A = arith.constant 1 : i32
      %sub3A_81 = arith.subi %div3A, %sub3A : i32
      %select_n3A = arith.select %and3A, %sub3A_81, %div3A : i32
      %jit3A_82 = arith.constant 8 : i32
      %eq3A_83 = arith.constant 0 : i32
      %eq3A_84 = arith.cmpi eq, %jit3A_82, %eq3A_83 : i32
      %jit3A_85 = arith.constant 1 : i32
      %select_n3A_86 = arith.select %eq3A_84, %jit3A_85, %jit3A_82 : i32
      %rem3A_87 = arith.remsi %scan3A_65, %select_n3A_86 : i32
      %ne3A_88 = arith.constant 0 : i32
      %ne3A_89 = arith.cmpi ne, %rem3A_87, %ne3A_88 : i32
      %lt3A = arith.constant 0 : i32
      %lt3A_90 = arith.cmpi slt, %rem3A_87, %lt3A : i32
      %lt3A_91 = arith.constant 0 : i32
      %lt3A_92 = arith.cmpi slt, %select_n3A_86, %lt3A_91 : i32
      %ne3A_93 = arith.xori %lt3A_90, %lt3A_92 : i1
      %and3A_94 = arith.andi %ne3A_93, %ne3A_89 : i1
      %add3A_95 = arith.addi %rem3A_87, %select_n3A_86 : i32
      %select_n3A_96 = arith.select %and3A_94, %add3A_95, %rem3A_87 : i32
      %mul3A_97 = arith.constant 16 : i32
      %mul3A_98 = arith.muli %select_n3A_96, %mul3A_97 : i32
      %swap3A = arith.constant 0 : i32
      %swap3A_99 = arith.index_cast %swap3A : i32 to index
      %swap3A_100 = arith.index_cast %select_n3A : i32 to index
      %swap3A_101 = arith.index_cast %mul3A_98 : i32 to index
      %swap3A_102 = tpu.vector_load %arg12[%swap3A_99, %swap3A_100, %swap3A_101] {strides = array<i32>} : memref<2x128x128xf32, #tpu.memory_space<vmem>>, vector<16xf32>,
      tpu.vector_store %arg12[%swap3A_99, %swap3A_100, %swap3A_101], %broadcast_in_dim3A_1 {strides = array<i32>} : memref<2x128x128xf32, #tpu.memory_space<vmem>>, vector<16xf32>,
    }
    %scan3A_6 = arith.constant 1024 : i32
    %scan3A_7 = arith.constant 0 : i32
    %scan3A_8 = arith.constant 0 : i32
    %scan3A_9 = arith.constant 5 : i32
    %scan3A_10 = arith.addi %scan3A_8, %scan3A_9 : i32
    %scan3A_11 = arith.constant 1 : i32
    scf.for %scan3A_65 = %scan3A_8 to %scan3A_10 step %scan3A_11  : i32 {
      %mul3A_66 = arith.constant 16 : i32
      %mul3A_67 = arith.muli %mul3A_66, %scan3A_65 : i32
      %add3A_68 = arith.addi %arg1, %mul3A_67 : i32
      %lt3A = arith.constant 78 : i32
      %lt3A_69 = arith.cmpi slt, %add3A_68, %lt3A : i32
      %convert_element_type3A_70 = arith.extui %lt3A_69 : i1 to i32
      %cond3A_71 = arith.constant 0 : i32
      %cond3A_72 = arith.cmpi ne, %convert_element_type3A_70, %cond3A_71 : i32
      scf.if %cond3A_72 {
        %mul3A_73 = arith.constant 128 : i32
        %mul3A_74 = arith.muli %add3A_68, %mul3A_73 : i32
        %run_scoped3A_75 = arith.constant 0 : i32
        "tpu.region"() ({
          %run_scoped3A_76 = tpu.sem_alloc : memref<!tpu.dma_semaphore, #tpu.memory_space<semaphore_mem>>
          %dma_start3A_77 = arith.constant 0 : i32
          %dma_start3A_78 = arith.constant 0 : i32
          %dma_start3A_79 = tpu.memref_slice %arg12[%run_scoped3A_75, %dma_start3A_77, %dma_start3A_78] : memref<2x128x128xf32, #tpu.memory_space<vmem>> -> memref<1x128x128xf32, #tpu.memory_space<vmem>>
          %dma_start3A_80 = tpu.memref_squeeze %dma_start3A_79 : memref<1x128x128xf32, #tpu.memory_space<vmem>> -> memref<128x128xf32, #tpu.memory_space<vmem>>
          %dma_start3A_81 = arith.constant 0 : i32
          %dma_start3A_82 = tpu.memref_slice %arg13[%mul3A_74, %dma_start3A_81] : memref<10000x128xf32, #tpu.memory_space<vmem_shared>> -> memref<128x128xf32, #tpu.memory_space<vmem_shared>>
          %dma_start3A_83 = arith.constant 0 : i32
          %dma_start3A_84 = tpu.memref_slice %arg13[%mul3A_74, %dma_start3A_83] : memref<10000x128xf32, #tpu.memory_space<vmem_shared>> -> memref<128x128xf32, #tpu.memory_space<vmem_shared>>
          %dma_start3A_85 = arith.constant 0 : i32
          %dma_start3A_86 = arith.constant 0 : i32
          %dma_start3A_87 = tpu.memref_slice %arg12[%run_scoped3A_75, %dma_start3A_85, %dma_start3A_86] : memref<2x128x128xf32, #tpu.memory_space<vmem>> -> memref<1x128x128xf32, #tpu.memory_space<vmem>>
          %dma_start3A_88 = tpu.memref_squeeze %dma_start3A_87 : memref<1x128x128xf32, #tpu.memory_space<vmem>> -> memref<128x128xf32, #tpu.memory_space<vmem>>
          tpu.enqueue_dma source(%dma_start3A_88 : memref<128x128xf32, #tpu.memory_space<vmem>>) target(%dma_start3A_84 : memref<128x128xf32, #tpu.memory_space<vmem_shared>>) target_semaphore(%run_scoped3A_76 : memref<!tpu.dma_semaphore, #tpu.memory_space<semaphore_mem>>)
          %dma_wait3A_89 = arith.constant 0 : i32
          %dma_wait3A_90 = arith.constant 0 : i32
          %dma_wait3A_91 = tpu.memref_slice %arg12[%run_scoped3A_75, %dma_wait3A_89, %dma_wait3A_90] : memref<2x128x128xf32, #tpu.memory_space<vmem>> -> memref<1x128x128xf32, #tpu.memory_space<vmem>>
          %dma_wait3A_92 = tpu.memref_squeeze %dma_wait3A_91 : memref<1x128x128xf32, #tpu.memory_space<vmem>> -> memref<128x128xf32, #tpu.memory_space<vmem>>
          %dma_wait3A_93 = arith.constant 0 : i32
          %dma_wait3A_94 = tpu.memref_slice %arg13[%mul3A_74, %dma_wait3A_93] : memref<10000x128xf32, #tpu.memory_space<vmem_shared>> -> memref<128x128xf32, #tpu.memory_space<vmem_shared>>
          %dma_wait3A_95 = arith.constant 0 : i32
          %dma_wait3A_96 = tpu.memref_slice %arg13[%mul3A_74, %dma_wait3A_95] : memref<10000x128xf32, #tpu.memory_space<vmem_shared>> -> memref<128x128xf32, #tpu.memory_space<vmem_shared>>
          %dma_wait3A_97 = arith.constant 0 : i32
          %dma_wait3A_98 = arith.constant 0 : i32
          %dma_wait3A_99 = tpu.memref_slice %arg12[%run_scoped3A_75, %dma_wait3A_97, %dma_wait3A_98] : memref<2x128x128xf32, #tpu.memory_space<vmem>> -> memref<1x128x128xf32, #tpu.memory_space<vmem>>
          %dma_wait3A_100 = tpu.memref_squeeze %dma_wait3A_99 : memref<1x128x128xf32, #tpu.memory_space<vmem>> -> memref<128x128xf32, #tpu.memory_space<vmem>>
          tpu.wait_dma2 semaphore(%run_scoped3A_76 : memref<!tpu.dma_semaphore, #tpu.memory_space<semaphore_mem>>) src(%dma_wait3A_100 : memref<128x128xf32, #tpu.memory_space<vmem>>) dst(%dma_wait3A_96 : memref<128x128xf32, #tpu.memory_space<vmem_shared>>)
          tpu.yield
        }) : () -> ()
      } else {
      }
    }
    %scan3A_12 = arith.constant 5 : i32
    %eq3A = arith.constant 15 : i32
    %eq3A_13 = arith.cmpi eq, %arg1, %eq3A : i32
    %convert_element_type3A = arith.extui %eq3A_13 : i1 to i32
    %cond3A = arith.constant 0 : i32
    %cond3A_14 = arith.cmpi ne, %convert_element_type3A, %cond3A : i32
    scf.if %cond3A_14 {
      %run_scoped3A_65 = arith.constant 0 : i32
      "tpu.region"() ({
        %run_scoped3A_66 = tpu.sem_alloc : memref<!tpu.dma_semaphore, #tpu.memory_space<semaphore_mem>>
        %dma_start3A_67 = arith.constant 0 : i32
        %dma_start3A_68 = arith.constant 0 : i32
        %dma_start3A_69 = tpu.memref_slice %arg12[%run_scoped3A_65, %dma_start3A_67, %dma_start3A_68] : memref<2x128x128xf32, #tpu.memory_space<vmem>> -> memref<1x16x128xf32, #tpu.memory_space<vmem>>
        %dma_start3A_70 = tpu.memref_squeeze %dma_start3A_69 : memref<1x16x128xf32, #tpu.memory_space<vmem>> -> memref<16x128xf32, #tpu.memory_space<vmem>>
        %dma_start3A_71 = arith.constant 9984 : i32
        %dma_start3A_72 = arith.constant 0 : i32
        %dma_start3A_73 = tpu.memref_slice %arg13[%dma_start3A_71, %dma_start3A_72] : memref<10000x128xf32, #tpu.memory_space<vmem_shared>> -> memref<16x128xf32, #tpu.memory_space<vmem_shared>>
        %dma_start3A_74 = arith.constant 9984 : i32
        %dma_start3A_75 = arith.constant 0 : i32
        %dma_start3A_76 = tpu.memref_slice %arg13[%dma_start3A_74, %dma_start3A_75] : memref<10000x128xf32, #tpu.memory_space<vmem_shared>> -> memref<16x128xf32, #tpu.memory_space<vmem_shared>>
        %dma_start3A_77 = arith.constant 0 : i32
        %dma_start3A_78 = arith.constant 0 : i32
        %dma_start3A_79 = tpu.memref_slice %arg12[%run_scoped3A_65, %dma_start3A_77, %dma_start3A_78] : memref<2x128x128xf32, #tpu.memory_space<vmem>> -> memref<1x16x128xf32, #tpu.memory_space<vmem>>
        %dma_start3A_80 = tpu.memref_squeeze %dma_start3A_79 : memref<1x16x128xf32, #tpu.memory_space<vmem>> -> memref<16x128xf32, #tpu.memory_space<vmem>>
        tpu.enqueue_dma source(%dma_start3A_80 : memref<16x128xf32, #tpu.memory_space<vmem>>) target(%dma_start3A_76 : memref<16x128xf32, #tpu.memory_space<vmem_shared>>) target_semaphore(%run_scoped3A_66 : memref<!tpu.dma_semaphore, #tpu.memory_space<semaphore_mem>>)
        %dma_wait3A_81 = arith.constant 0 : i32
        %dma_wait3A_82 = arith.constant 0 : i32
        %dma_wait3A_83 = tpu.memref_slice %arg12[%run_scoped3A_65, %dma_wait3A_81, %dma_wait3A_82] : memref<2x128x128xf32, #tpu.memory_space<vmem>> -> memref<1x16x128xf32, #tpu.memory_space<vmem>>
        %dma_wait3A_84 = tpu.memref_squeeze %dma_wait3A_83 : memref<1x16x128xf32, #tpu.memory_space<vmem>> -> memref<16x128xf32, #tpu.memory_space<vmem>>
        %dma_wait3A_85 = arith.constant 9984 : i32
        %dma_wait3A_86 = arith.constant 0 : i32
        %dma_wait3A_87 = tpu.memref_slice %arg13[%dma_wait3A_85, %dma_wait3A_86] : memref<10000x128xf32, #tpu.memory_space<vmem_shared>> -> memref<16x128xf32, #tpu.memory_space<vmem_shared>>
        %dma_wait3A_88 = arith.constant 9984 : i32
        %dma_wait3A_89 = arith.constant 0 : i32
        %dma_wait3A_90 = tpu.memref_slice %arg13[%dma_wait3A_88, %dma_wait3A_89] : memref<10000x128xf32, #tpu.memory_space<vmem_shared>> -> memref<16x128xf32, #tpu.memory_space<vmem_shared>>
        %dma_wait3A_91 = arith.constant 0 : i32
        %dma_wait3A_92 = arith.constant 0 : i32
        %dma_wait3A_93 = tpu.memref_slice %arg12[%run_scoped3A_65, %dma_wait3A_91, %dma_wait3A_92] : memref<2x128x128xf32, #tpu.memory_space<vmem>> -> memref<1x16x128xf32, #tpu.memory_space<vmem>>
        %dma_wait3A_94 = tpu.memref_squeeze %dma_wait3A_93 : memref<1x16x128xf32, #tpu.memory_space<vmem>> -> memref<16x128xf32, #tpu.memory_space<vmem>>
        tpu.wait_dma2 semaphore(%run_scoped3A_66 : memref<!tpu.dma_semaphore, #tpu.memory_space<semaphore_mem>>) src(%dma_wait3A_94 : memref<16x128xf32, #tpu.memory_space<vmem>>) dst(%dma_wait3A_90 : memref<16x128xf32, #tpu.memory_space<vmem_shared>>)
        tpu.yield
      }) : () -> ()
    } else {
    }
    %barrier3A = arith.constant 0 : index
    tpu.barrier barrier_id(%barrier3A)
    %mul3A_15 = arith.constant 10000 : i32
    %mul3A_16 = arith.muli %add3A, %mul3A_15 : i32
    "tpu.region"() ({
      %run_scoped3A_65 = tpu.sem_alloc : memref<!tpu.dma_semaphore, #tpu.memory_space<semaphore_mem>>
      %dma_start3A_66 = tpu.memref_slice %arg3[%mul3A_16] : memref<320000xi32, #tpu.memory_space<hbm>> -> memref<128xi32, #tpu.memory_space<hbm>>
      %dma_start3A_67 = tpu.memref_slice %arg3[%mul3A_16] : memref<320000xi32, #tpu.memory_space<hbm>> -> memref<128xi32, #tpu.memory_space<hbm>>
      tpu.enqueue_dma source(%dma_start3A_67 : memref<128xi32, #tpu.memory_space<hbm>>) target(%arg6 : memref<128xi32, #tpu.memory_space<vmem>>) target_semaphore(%run_scoped3A_65 : memref<!tpu.dma_semaphore, #tpu.memory_space<semaphore_mem>>)
      %dma_wait3A_68 = tpu.memref_slice %arg3[%mul3A_16] : memref<320000xi32, #tpu.memory_space<hbm>> -> memref<128xi32, #tpu.memory_space<hbm>>
      %dma_wait3A_69 = tpu.memref_slice %arg3[%mul3A_16] : memref<320000xi32, #tpu.memory_space<hbm>> -> memref<128xi32, #tpu.memory_space<hbm>>
      tpu.wait_dma2 semaphore(%run_scoped3A_65 : memref<!tpu.dma_semaphore, #tpu.memory_space<semaphore_mem>>) src(%dma_wait3A_69 : memref<128xi32, #tpu.memory_space<hbm>>) dst(%arg6 : memref<128xi32, #tpu.memory_space<vmem>>)
      tpu.yield
    }) : () -> ()
    "tpu.region"() ({
      %run_scoped3A_65 = tpu.sem_alloc : memref<!tpu.dma_semaphore, #tpu.memory_space<semaphore_mem>>
      %dma_start3A_66 = tpu.memref_slice %arg4[%mul3A_16] : memref<320000xi32, #tpu.memory_space<hbm>> -> memref<128xi32, #tpu.memory_space<hbm>>
      %dma_start3A_67 = tpu.memref_slice %arg4[%mul3A_16] : memref<320000xi32, #tpu.memory_space<hbm>> -> memref<128xi32, #tpu.memory_space<hbm>>
      tpu.enqueue_dma source(%dma_start3A_67 : memref<128xi32, #tpu.memory_space<hbm>>) target(%arg7 : memref<128xi32, #tpu.memory_space<vmem>>) target_semaphore(%run_scoped3A_65 : memref<!tpu.dma_semaphore, #tpu.memory_space<semaphore_mem>>)
      %dma_wait3A_68 = tpu.memref_slice %arg4[%mul3A_16] : memref<320000xi32, #tpu.memory_space<hbm>> -> memref<128xi32, #tpu.memory_space<hbm>>
      %dma_wait3A_69 = tpu.memref_slice %arg4[%mul3A_16] : memref<320000xi32, #tpu.memory_space<hbm>> -> memref<128xi32, #tpu.memory_space<hbm>>
      tpu.wait_dma2 semaphore(%run_scoped3A_65 : memref<!tpu.dma_semaphore, #tpu.memory_space<semaphore_mem>>) src(%dma_wait3A_69 : memref<128xi32, #tpu.memory_space<hbm>>) dst(%arg7 : memref<128xi32, #tpu.memory_space<vmem>>)
      tpu.yield
    }) : () -> ()
    %dma_start3A = arith.constant 0 : i32
    %dma_start3A_17 = arith.constant 0 : i32
    %dma_start3A_18 = arith.constant 0 : i32
    %dma_start3A_19 = tpu.memref_slice %arg12[%dma_start3A, %dma_start3A_17, %dma_start3A_18] : memref<2x128x128xf32, #tpu.memory_space<vmem>> -> memref<1x128x128xf32, #tpu.memory_space<vmem>>
    %dma_start3A_20 = tpu.memref_squeeze %dma_start3A_19 : memref<1x128x128xf32, #tpu.memory_space<vmem>> -> memref<128x128xf32, #tpu.memory_space<vmem>>
    %dma_start3A_21 = arith.constant 0 : i32
    %dma_start3A_22 = arith.constant 0 : i32
    %dma_start3A_23 = tpu.memref_slice %arg2[%dma_start3A_21, %dma_start3A_22] : memref<10000x128xf32, #tpu.memory_space<hbm>> -> memref<10000x128xf32, #tpu.memory_space<hbm>>
    tpu.enqueue_indirect_dma source(%dma_start3A_23 : memref<10000x128xf32, #tpu.memory_space<hbm>>) target(%dma_start3A_20 : memref<128x128xf32, #tpu.memory_space<vmem>>) offsets(%arg6 : memref<128xi32, #tpu.memory_space<vmem>>) semaphore(%arg14 : memref<!tpu.dma_semaphore, #tpu.memory_space<semaphore_mem>>)
    %add3A_24 = arith.constant 128 : i32
    %add3A_25 = arith.addi %mul3A_16, %add3A_24 : i32
    "tpu.region"() ({
      %run_scoped3A_65 = tpu.sem_alloc : memref<!tpu.dma_semaphore, #tpu.memory_space<semaphore_mem>>
      %dma_start3A_66 = tpu.memref_slice %arg3[%add3A_25] : memref<320000xi32, #tpu.memory_space<hbm>> -> memref<128xi32, #tpu.memory_space<hbm>>
      %dma_start3A_67 = tpu.memref_slice %arg3[%add3A_25] : memref<320000xi32, #tpu.memory_space<hbm>> -> memref<128xi32, #tpu.memory_space<hbm>>
      tpu.enqueue_dma source(%dma_start3A_67 : memref<128xi32, #tpu.memory_space<hbm>>) target(%arg8 : memref<128xi32, #tpu.memory_space<vmem>>) target_semaphore(%run_scoped3A_65 : memref<!tpu.dma_semaphore, #tpu.memory_space<semaphore_mem>>)
      %dma_wait3A_68 = tpu.memref_slice %arg3[%add3A_25] : memref<320000xi32, #tpu.memory_space<hbm>> -> memref<128xi32, #tpu.memory_space<hbm>>
      %dma_wait3A_69 = tpu.memref_slice %arg3[%add3A_25] : memref<320000xi32, #tpu.memory_space<hbm>> -> memref<128xi32, #tpu.memory_space<hbm>>
      tpu.wait_dma2 semaphore(%run_scoped3A_65 : memref<!tpu.dma_semaphore, #tpu.memory_space<semaphore_mem>>) src(%dma_wait3A_69 : memref<128xi32, #tpu.memory_space<hbm>>) dst(%arg8 : memref<128xi32, #tpu.memory_space<vmem>>)
      tpu.yield
    }) : () -> ()
    %add3A_26 = arith.constant 128 : i32
    %add3A_27 = arith.addi %mul3A_16, %add3A_26 : i32
    "tpu.region"() ({
      %run_scoped3A_65 = tpu.sem_alloc : memref<!tpu.dma_semaphore, #tpu.memory_space<semaphore_mem>>
      %dma_start3A_66 = tpu.memref_slice %arg4[%add3A_27] : memref<320000xi32, #tpu.memory_space<hbm>> -> memref<128xi32, #tpu.memory_space<hbm>>
      %dma_start3A_67 = tpu.memref_slice %arg4[%add3A_27] : memref<320000xi32, #tpu.memory_space<hbm>> -> memref<128xi32, #tpu.memory_space<hbm>>
      tpu.enqueue_dma source(%dma_start3A_67 : memref<128xi32, #tpu.memory_space<hbm>>) target(%arg9 : memref<128xi32, #tpu.memory_space<vmem>>) target_semaphore(%run_scoped3A_65 : memref<!tpu.dma_semaphore, #tpu.memory_space<semaphore_mem>>)
      %dma_wait3A_68 = tpu.memref_slice %arg4[%add3A_27] : memref<320000xi32, #tpu.memory_space<hbm>> -> memref<128xi32, #tpu.memory_space<hbm>>
      %dma_wait3A_69 = tpu.memref_slice %arg4[%add3A_27] : memref<320000xi32, #tpu.memory_space<hbm>> -> memref<128xi32, #tpu.memory_space<hbm>>
      tpu.wait_dma2 semaphore(%run_scoped3A_65 : memref<!tpu.dma_semaphore, #tpu.memory_space<semaphore_mem>>) src(%dma_wait3A_69 : memref<128xi32, #tpu.memory_space<hbm>>) dst(%arg9 : memref<128xi32, #tpu.memory_space<vmem>>)
      tpu.yield
    }) : () -> ()
    %scan3A_28 = arith.constant 0 : i32
    %scan3A_29 = arith.constant 0 : i32
    %scan3A_30 = arith.constant 39 : i32
    %scan3A_31 = arith.addi %scan3A_29, %scan3A_30 : i32
    %scan3A_32 = arith.constant 1 : i32
    scf.for %scan3A_65 = %scan3A_29 to %scan3A_31 step %scan3A_32  : i32 {
      %mul3A_66 = arith.constant 2 : i32
      %mul3A_67 = arith.muli %mul3A_66, %scan3A_65 : i32
      %dma_start3A_68 = arith.constant 1 : i32
      %dma_start3A_69 = arith.constant 0 : i32
      %dma_start3A_70 = arith.constant 0 : i32
      %dma_start3A_71 = tpu.memref_slice %arg12[%dma_start3A_68, %dma_start3A_69, %dma_start3A_70] : memref<2x128x128xf32, #tpu.memory_space<vmem>> -> memref<1x128x128xf32, #tpu.memory_space<vmem>>
      %dma_start3A_72 = tpu.memref_squeeze %dma_start3A_71 : memref<1x128x128xf32, #tpu.memory_space<vmem>> -> memref<128x128xf32, #tpu.memory_space<vmem>>
      %dma_start3A_73 = arith.constant 0 : i32
      %dma_start3A_74 = arith.constant 0 : i32
      %dma_start3A_75 = tpu.memref_slice %arg2[%dma_start3A_73, %dma_start3A_74] : memref<10000x128xf32, #tpu.memory_space<hbm>> -> memref<10000x128xf32, #tpu.memory_space<hbm>>
      tpu.enqueue_indirect_dma source(%dma_start3A_75 : memref<10000x128xf32, #tpu.memory_space<hbm>>) target(%dma_start3A_72 : memref<128x128xf32, #tpu.memory_space<vmem>>) offsets(%arg8 : memref<128xi32, #tpu.memory_space<vmem>>) semaphore(%arg15 : memref<!tpu.dma_semaphore, #tpu.memory_space<semaphore_mem>>)
      %dma_wait3A_76 = arith.constant 0 : i32
      %dma_wait3A_77 = arith.constant 0 : i32
      %dma_wait3A_78 = arith.constant 0 : i32
      %dma_wait3A_79 = tpu.memref_slice %arg12[%dma_wait3A_76, %dma_wait3A_77, %dma_wait3A_78] : memref<2x128x128xf32, #tpu.memory_space<vmem>> -> memref<1x128x128xf32, #tpu.memory_space<vmem>>
      %dma_wait3A_80 = tpu.memref_squeeze %dma_wait3A_79 : memref<1x128x128xf32, #tpu.memory_space<vmem>> -> memref<128x128xf32, #tpu.memory_space<vmem>>
      %dma_wait3A_81 = arith.constant 0 : i32
      %dma_wait3A_82 = arith.constant 0 : i32
      %dma_wait3A_83 = tpu.memref_slice %arg2[%dma_wait3A_81, %dma_wait3A_82] : memref<10000x128xf32, #tpu.memory_space<hbm>> -> memref<128x128xf32, #tpu.memory_space<hbm>>
      %dma_wait3A_84 = arith.constant 0 : i32
      %dma_wait3A_85 = arith.constant 0 : i32
      %dma_wait3A_86 = tpu.memref_slice %arg12[%dma_wait3A_76, %dma_wait3A_84, %dma_wait3A_85] : memref<2x128x128xf32, #tpu.memory_space<vmem>> -> memref<1x128x128xf32, #tpu.memory_space<vmem>>
      %dma_wait3A_87 = tpu.memref_squeeze %dma_wait3A_86 : memref<1x128x128xf32, #tpu.memory_space<vmem>> -> memref<128x128xf32, #tpu.memory_space<vmem>>
      %dma_wait3A_88 = arith.constant 0 : i32
      %dma_wait3A_89 = arith.constant 0 : i32
      %dma_wait3A_90 = tpu.memref_slice %arg2[%dma_wait3A_88, %dma_wait3A_89] : memref<10000x128xf32, #tpu.memory_space<hbm>> -> memref<128x128xf32, #tpu.memory_space<hbm>>
      tpu.wait_dma2 semaphore(%arg14 : memref<!tpu.dma_semaphore, #tpu.memory_space<semaphore_mem>>) src(%dma_wait3A_90 : memref<128x128xf32, #tpu.memory_space<hbm>>) dst(%dma_wait3A_87 : memref<128x128xf32, #tpu.memory_space<vmem>>)
      %run_scoped3A_91 = arith.constant 0 : i32
      "tpu.region"() ({
        %run_scoped3A_128 = tpu.sem_alloc : memref<!tpu.dma_semaphore, #tpu.memory_space<semaphore_mem>>
        %dma_start3A_129 = arith.constant 0 : i32
        %dma_start3A_130 = arith.constant 0 : i32
        %dma_start3A_131 = tpu.memref_slice %arg12[%run_scoped3A_91, %dma_start3A_129, %dma_start3A_130] : memref<2x128x128xf32, #tpu.memory_space<vmem>> -> memref<1x128x128xf32, #tpu.memory_space<vmem>>
        %dma_start3A_132 = tpu.memref_squeeze %dma_start3A_131 : memref<1x128x128xf32, #tpu.memory_space<vmem>> -> memref<128x128xf32, #tpu.memory_space<vmem>>
        %dma_start3A_133 = arith.constant 0 : i32
        %dma_start3A_134 = arith.constant 0 : i32
        %dma_start3A_135 = tpu.memref_slice %arg13[%dma_start3A_133, %dma_start3A_134] : memref<10000x128xf32, #tpu.memory_space<vmem_shared>> -> memref<10000x128xf32, #tpu.memory_space<vmem_shared>>
        tpu.enqueue_indirect_dma source(%dma_start3A_132 : memref<128x128xf32, #tpu.memory_space<vmem>>) target(%dma_start3A_135 : memref<10000x128xf32, #tpu.memory_space<vmem_shared>>) offsets(%arg7 : memref<128xi32, #tpu.memory_space<vmem>>) semaphore(%run_scoped3A_128 : memref<!tpu.dma_semaphore, #tpu.memory_space<semaphore_mem>>) {add = true}
        %dma_wait3A_136 = arith.constant 0 : i32
        %dma_wait3A_137 = arith.constant 0 : i32
        %dma_wait3A_138 = tpu.memref_slice %arg12[%run_scoped3A_91, %dma_wait3A_136, %dma_wait3A_137] : memref<2x128x128xf32, #tpu.memory_space<vmem>> -> memref<1x128x128xf32, #tpu.memory_space<vmem>>
        %dma_wait3A_139 = tpu.memref_squeeze %dma_wait3A_138 : memref<1x128x128xf32, #tpu.memory_space<vmem>> -> memref<128x128xf32, #tpu.memory_space<vmem>>
        %dma_wait3A_140 = arith.constant 0 : i32
        %dma_wait3A_141 = arith.constant 0 : i32
        %dma_wait3A_142 = tpu.memref_slice %arg13[%dma_wait3A_140, %dma_wait3A_141] : memref<10000x128xf32, #tpu.memory_space<vmem_shared>> -> memref<10000x128xf32, #tpu.memory_space<vmem_shared>>
        tpu.wait_indirect_dma semaphore(%run_scoped3A_128 : memref<!tpu.dma_semaphore, #tpu.memory_space<semaphore_mem>>) src(%dma_wait3A_139 : memref<128x128xf32, #tpu.memory_space<vmem>>) dst(%dma_wait3A_142 : memref<10000x128xf32, #tpu.memory_space<vmem_shared>>)
        tpu.yield
      }) : () -> ()
      %add3A_92 = arith.constant 2 : i32
      %add3A_93 = arith.addi %mul3A_67, %add3A_92 : i32
      %lt3A = arith.constant 78 : i32
      %lt3A_94 = arith.cmpi slt, %add3A_93, %lt3A : i32
      %convert_element_type3A_95 = arith.extui %lt3A_94 : i1 to i32
      %cond3A_96 = arith.constant 0 : i32
      %cond3A_97 = arith.cmpi ne, %convert_element_type3A_95, %cond3A_96 : i32
      scf.if %cond3A_97 {
        %add3A_128 = arith.constant 2 : i32
        %add3A_129 = arith.addi %mul3A_67, %add3A_128 : i32
        %mul3A_130 = arith.constant 128 : i32
        %mul3A_131 = arith.muli %add3A_129, %mul3A_130 : i32
        %add3A_132 = arith.addi %mul3A_16, %mul3A_131 : i32
        %dma_start3A_133 = tpu.memref_slice %arg3[%add3A_132] : memref<320000xi32, #tpu.memory_space<hbm>> -> memref<128xi32, #tpu.memory_space<hbm>>
        %dma_start3A_134 = tpu.memref_slice %arg3[%add3A_132] : memref<320000xi32, #tpu.memory_space<hbm>> -> memref<128xi32, #tpu.memory_space<hbm>>
        tpu.enqueue_dma source(%dma_start3A_134 : memref<128xi32, #tpu.memory_space<hbm>>) target(%arg6 : memref<128xi32, #tpu.memory_space<vmem>>) target_semaphore(%arg16 : memref<!tpu.dma_semaphore, #tpu.memory_space<semaphore_mem>>)
        %mul3A_135 = arith.constant 128 : i32
        %mul3A_136 = arith.muli %add3A_129, %mul3A_135 : i32
        %add3A_137 = arith.addi %mul3A_16, %mul3A_136 : i32
        %dma_start3A_138 = tpu.memref_slice %arg4[%add3A_137] : memref<320000xi32, #tpu.memory_space<hbm>> -> memref<128xi32, #tpu.memory_space<hbm>>
        %dma_start3A_139 = tpu.memref_slice %arg4[%add3A_137] : memref<320000xi32, #tpu.memory_space<hbm>> -> memref<128xi32, #tpu.memory_space<hbm>>
        tpu.enqueue_dma source(%dma_start3A_139 : memref<128xi32, #tpu.memory_space<hbm>>) target(%arg7 : memref<128xi32, #tpu.memory_space<vmem>>) target_semaphore(%arg16 : memref<!tpu.dma_semaphore, #tpu.memory_space<semaphore_mem>>)
      } else {
      }
      %dma_wait3A_98 = arith.constant 1 : i32
      %dma_wait3A_99 = arith.constant 0 : i32
      %dma_wait3A_100 = arith.constant 0 : i32
      %dma_wait3A_101 = tpu.memref_slice %arg12[%dma_wait3A_98, %dma_wait3A_99, %dma_wait3A_100] : memref<2x128x128xf32, #tpu.memory_space<vmem>> -> memref<1x128x128xf32, #tpu.memory_space<vmem>>
      %dma_wait3A_102 = tpu.memref_squeeze %dma_wait3A_101 : memref<1x128x128xf32, #tpu.memory_space<vmem>> -> memref<128x128xf32, #tpu.memory_space<vmem>>
      %dma_wait3A_103 = arith.constant 0 : i32
      %dma_wait3A_104 = arith.constant 0 : i32
      %dma_wait3A_105 = tpu.memref_slice %arg2[%dma_wait3A_103, %dma_wait3A_104] : memref<10000x128xf32, #tpu.memory_space<hbm>> -> memref<128x128xf32, #tpu.memory_space<hbm>>
      %dma_wait3A_106 = arith.constant 0 : i32
      %dma_wait3A_107 = arith.constant 0 : i32
      %dma_wait3A_108 = tpu.memref_slice %arg12[%dma_wait3A_98, %dma_wait3A_106, %dma_wait3A_107] : memref<2x128x128xf32, #tpu.memory_space<vmem>> -> memref<1x128x128xf32, #tpu.memory_space<vmem>>
      %dma_wait3A_109 = tpu.memref_squeeze %dma_wait3A_108 : memref<1x128x128xf32, #tpu.memory_space<vmem>> -> memref<128x128xf32, #tpu.memory_space<vmem>>
      %dma_wait3A_110 = arith.constant 0 : i32
      %dma_wait3A_111 = arith.constant 0 : i32
      %dma_wait3A_112 = tpu.memref_slice %arg2[%dma_wait3A_110, %dma_wait3A_111] : memref<10000x128xf32, #tpu.memory_space<hbm>> -> memref<128x128xf32, #tpu.memory_space<hbm>>
      tpu.wait_dma2 semaphore(%arg15 : memref<!tpu.dma_semaphore, #tpu.memory_space<semaphore_mem>>) src(%dma_wait3A_112 : memref<128x128xf32, #tpu.memory_space<hbm>>) dst(%dma_wait3A_109 : memref<128x128xf32, #tpu.memory_space<vmem>>)
      %run_scoped3A_113 = arith.constant 1 : i32
      "tpu.region"() ({
        %run_scoped3A_128 = tpu.sem_alloc : memref<!tpu.dma_semaphore, #tpu.memory_space<semaphore_mem>>
        %dma_start3A_129 = arith.constant 0 : i32
        %dma_start3A_130 = arith.constant 0 : i32
        %dma_start3A_131 = tpu.memref_slice %arg12[%run_scoped3A_113, %dma_start3A_129, %dma_start3A_130] : memref<2x128x128xf32, #tpu.memory_space<vmem>> -> memref<1x128x128xf32, #tpu.memory_space<vmem>>
        %dma_start3A_132 = tpu.memref_squeeze %dma_start3A_131 : memref<1x128x128xf32, #tpu.memory_space<vmem>> -> memref<128x128xf32, #tpu.memory_space<vmem>>
        %dma_start3A_133 = arith.constant 0 : i32
        %dma_start3A_134 = arith.constant 0 : i32
        %dma_start3A_135 = tpu.memref_slice %arg13[%dma_start3A_133, %dma_start3A_134] : memref<10000x128xf32, #tpu.memory_space<vmem_shared>> -> memref<10000x128xf32, #tpu.memory_space<vmem_shared>>
        tpu.enqueue_indirect_dma source(%dma_start3A_132 : memref<128x128xf32, #tpu.memory_space<vmem>>) target(%dma_start3A_135 : memref<10000x128xf32, #tpu.memory_space<vmem_shared>>) offsets(%arg9 : memref<128xi32, #tpu.memory_space<vmem>>) semaphore(%run_scoped3A_128 : memref<!tpu.dma_semaphore, #tpu.memory_space<semaphore_mem>>) {add = true}
        %dma_wait3A_136 = arith.constant 0 : i32
        %dma_wait3A_137 = arith.constant 0 : i32
        %dma_wait3A_138 = tpu.memref_slice %arg12[%run_scoped3A_113, %dma_wait3A_136, %dma_wait3A_137] : memref<2x128x128xf32, #tpu.memory_space<vmem>> -> memref<1x128x128xf32, #tpu.memory_space<vmem>>
        %dma_wait3A_139 = tpu.memref_squeeze %dma_wait3A_138 : memref<1x128x128xf32, #tpu.memory_space<vmem>> -> memref<128x128xf32, #tpu.memory_space<vmem>>
        %dma_wait3A_140 = arith.constant 0 : i32
        %dma_wait3A_141 = arith.constant 0 : i32
        %dma_wait3A_142 = tpu.memref_slice %arg13[%dma_wait3A_140, %dma_wait3A_141] : memref<10000x128xf32, #tpu.memory_space<vmem_shared>> -> memref<10000x128xf32, #tpu.memory_space<vmem_shared>>
        tpu.wait_indirect_dma semaphore(%run_scoped3A_128 : memref<!tpu.dma_semaphore, #tpu.memory_space<semaphore_mem>>) src(%dma_wait3A_139 : memref<128x128xf32, #tpu.memory_space<vmem>>) dst(%dma_wait3A_142 : memref<10000x128xf32, #tpu.memory_space<vmem_shared>>)
        tpu.yield
      }) : () -> ()
      %add3A_114 = arith.constant 2 : i32
      %add3A_115 = arith.addi %mul3A_67, %add3A_114 : i32
      %lt3A_116 = arith.constant 78 : i32
      %lt3A_117 = arith.cmpi slt, %add3A_115, %lt3A_116 : i32
      %convert_element_type3A_118 = arith.extui %lt3A_117 : i1 to i32
      %cond3A_119 = arith.constant 0 : i32
      %cond3A_120 = arith.cmpi ne, %convert_element_type3A_118, %cond3A_119 : i32
      scf.if %cond3A_120 {
        %dma_wait3A_128 = arith.constant 0 : i32
        %dma_wait3A_129 = tpu.memref_slice %arg3[%dma_wait3A_128] : memref<320000xi32, #tpu.memory_space<hbm>> -> memref<128xi32, #tpu.memory_space<hbm>>
        %dma_wait3A_130 = arith.constant 0 : i32
        %dma_wait3A_131 = tpu.memref_slice %arg3[%dma_wait3A_130] : memref<320000xi32, #tpu.memory_space<hbm>> -> memref<128xi32, #tpu.memory_space<hbm>>
        tpu.wait_dma2 semaphore(%arg16 : memref<!tpu.dma_semaphore, #tpu.memory_space<semaphore_mem>>) src(%dma_wait3A_131 : memref<128xi32, #tpu.memory_space<hbm>>) dst(%arg6 : memref<128xi32, #tpu.memory_space<vmem>>)
        %dma_wait3A_132 = arith.constant 0 : i32
        %dma_wait3A_133 = tpu.memref_slice %arg3[%dma_wait3A_132] : memref<320000xi32, #tpu.memory_space<hbm>> -> memref<128xi32, #tpu.memory_space<hbm>>
        %dma_wait3A_134 = arith.constant 0 : i32
        %dma_wait3A_135 = tpu.memref_slice %arg3[%dma_wait3A_134] : memref<320000xi32, #tpu.memory_space<hbm>> -> memref<128xi32, #tpu.memory_space<hbm>>
        tpu.wait_dma2 semaphore(%arg16 : memref<!tpu.dma_semaphore, #tpu.memory_space<semaphore_mem>>) src(%dma_wait3A_135 : memref<128xi32, #tpu.memory_space<hbm>>) dst(%arg7 : memref<128xi32, #tpu.memory_space<vmem>>)
        %dma_start3A_136 = arith.constant 0 : i32
        %dma_start3A_137 = arith.constant 0 : i32
        %dma_start3A_138 = arith.constant 0 : i32
        %dma_start3A_139 = tpu.memref_slice %arg12[%dma_start3A_136, %dma_start3A_137, %dma_start3A_138] : memref<2x128x128xf32, #tpu.memory_space<vmem>> -> memref<1x128x128xf32, #tpu.memory_space<vmem>>
        %dma_start3A_140 = tpu.memref_squeeze %dma_start3A_139 : memref<1x128x128xf32, #tpu.memory_space<vmem>> -> memref<128x128xf32, #tpu.memory_space<vmem>>
        %dma_start3A_141 = arith.constant 0 : i32
        %dma_start3A_142 = arith.constant 0 : i32
        %dma_start3A_143 = tpu.memref_slice %arg2[%dma_start3A_141, %dma_start3A_142] : memref<10000x128xf32, #tpu.memory_space<hbm>> -> memref<10000x128xf32, #tpu.memory_space<hbm>>
        tpu.enqueue_indirect_dma source(%dma_start3A_143 : memref<10000x128xf32, #tpu.memory_space<hbm>>) target(%dma_start3A_140 : memref<128x128xf32, #tpu.memory_space<vmem>>) offsets(%arg6 : memref<128xi32, #tpu.memory_space<vmem>>) semaphore(%arg14 : memref<!tpu.dma_semaphore, #tpu.memory_space<semaphore_mem>>)
      } else {
      }
      %add3A_121 = arith.constant 3 : i32
      %add3A_122 = arith.addi %mul3A_67, %add3A_121 : i32
      %lt3A_123 = arith.constant 78 : i32
      %lt3A_124 = arith.cmpi slt, %add3A_122, %lt3A_123 : i32
      %convert_element_type3A_125 = arith.extui %lt3A_124 : i1 to i32
      %cond3A_126 = arith.constant 0 : i32
      %cond3A_127 = arith.cmpi ne, %convert_element_type3A_125, %cond3A_126 : i32
      scf.if %cond3A_127 {
        %add3A_128 = arith.constant 3 : i32
        %add3A_129 = arith.addi %mul3A_67, %add3A_128 : i32
        %mul3A_130 = arith.constant 128 : i32
        %mul3A_131 = arith.muli %add3A_129, %mul3A_130 : i32
        %add3A_132 = arith.addi %mul3A_16, %mul3A_131 : i32
        %dma_start3A_133 = tpu.memref_slice %arg3[%add3A_132] : memref<320000xi32, #tpu.memory_space<hbm>> -> memref<128xi32, #tpu.memory_space<hbm>>
        %dma_start3A_134 = tpu.memref_slice %arg3[%add3A_132] : memref<320000xi32, #tpu.memory_space<hbm>> -> memref<128xi32, #tpu.memory_space<hbm>>
        tpu.enqueue_dma source(%dma_start3A_134 : memref<128xi32, #tpu.memory_space<hbm>>) target(%arg8 : memref<128xi32, #tpu.memory_space<vmem>>) target_semaphore(%arg17 : memref<!tpu.dma_semaphore, #tpu.memory_space<semaphore_mem>>)
        %mul3A_135 = arith.constant 128 : i32
        %mul3A_136 = arith.muli %add3A_129, %mul3A_135 : i32
        %add3A_137 = arith.addi %mul3A_16, %mul3A_136 : i32
        %dma_start3A_138 = tpu.memref_slice %arg4[%add3A_137] : memref<320000xi32, #tpu.memory_space<hbm>> -> memref<128xi32, #tpu.memory_space<hbm>>
        %dma_start3A_139 = tpu.memref_slice %arg4[%add3A_137] : memref<320000xi32, #tpu.memory_space<hbm>> -> memref<128xi32, #tpu.memory_space<hbm>>
        tpu.enqueue_dma source(%dma_start3A_139 : memref<128xi32, #tpu.memory_space<hbm>>) target(%arg9 : memref<128xi32, #tpu.memory_space<vmem>>) target_semaphore(%arg17 : memref<!tpu.dma_semaphore, #tpu.memory_space<semaphore_mem>>)
        %dma_wait3A_140 = arith.constant 0 : i32
        %dma_wait3A_141 = tpu.memref_slice %arg3[%dma_wait3A_140] : memref<320000xi32, #tpu.memory_space<hbm>> -> memref<128xi32, #tpu.memory_space<hbm>>
        %dma_wait3A_142 = arith.constant 0 : i32
        %dma_wait3A_143 = tpu.memref_slice %arg3[%dma_wait3A_142] : memref<320000xi32, #tpu.memory_space<hbm>> -> memref<128xi32, #tpu.memory_space<hbm>>
        tpu.wait_dma2 semaphore(%arg17 : memref<!tpu.dma_semaphore, #tpu.memory_space<semaphore_mem>>) src(%dma_wait3A_143 : memref<128xi32, #tpu.memory_space<hbm>>) dst(%arg8 : memref<128xi32, #tpu.memory_space<vmem>>)
        %dma_wait3A_144 = arith.constant 0 : i32
        %dma_wait3A_145 = tpu.memref_slice %arg3[%dma_wait3A_144] : memref<320000xi32, #tpu.memory_space<hbm>> -> memref<128xi32, #tpu.memory_space<hbm>>
        %dma_wait3A_146 = arith.constant 0 : i32
        %dma_wait3A_147 = tpu.memref_slice %arg3[%dma_wait3A_146] : memref<320000xi32, #tpu.memory_space<hbm>> -> memref<128xi32, #tpu.memory_space<hbm>>
        tpu.wait_dma2 semaphore(%arg17 : memref<!tpu.dma_semaphore, #tpu.memory_space<semaphore_mem>>) src(%dma_wait3A_147 : memref<128xi32, #tpu.memory_space<hbm>>) dst(%arg9 : memref<128xi32, #tpu.memory_space<vmem>>)
      } else {
      }
    }
    %scan3A_33 = arith.constant 39 : i32
    %add3A_34 = arith.constant 9984 : i32
    %add3A_35 = arith.addi %mul3A_16, %add3A_34 : i32
    "tpu.region"() ({
      %run_scoped3A_65 = tpu.sem_alloc : memref<!tpu.dma_semaphore, #tpu.memory_space<semaphore_mem>>
      %dma_start3A_66 = tpu.memref_slice %arg3[%add3A_35] : memref<320000xi32, #tpu.memory_space<hbm>> -> memref<16xi32, #tpu.memory_space<hbm>>
      %dma_start3A_67 = tpu.memref_slice %arg3[%add3A_35] : memref<320000xi32, #tpu.memory_space<hbm>> -> memref<16xi32, #tpu.memory_space<hbm>>
      tpu.enqueue_dma source(%dma_start3A_67 : memref<16xi32, #tpu.memory_space<hbm>>) target(%arg10 : memref<16xi32, #tpu.memory_space<vmem>>) target_semaphore(%run_scoped3A_65 : memref<!tpu.dma_semaphore, #tpu.memory_space<semaphore_mem>>)
      %dma_wait3A_68 = tpu.memref_slice %arg3[%add3A_35] : memref<320000xi32, #tpu.memory_space<hbm>> -> memref<16xi32, #tpu.memory_space<hbm>>
      %dma_wait3A_69 = tpu.memref_slice %arg3[%add3A_35] : memref<320000xi32, #tpu.memory_space<hbm>> -> memref<16xi32, #tpu.memory_space<hbm>>
      tpu.wait_dma2 semaphore(%run_scoped3A_65 : memref<!tpu.dma_semaphore, #tpu.memory_space<semaphore_mem>>) src(%dma_wait3A_69 : memref<16xi32, #tpu.memory_space<hbm>>) dst(%arg10 : memref<16xi32, #tpu.memory_space<vmem>>)
      tpu.yield
    }) : () -> ()
    %add3A_36 = arith.constant 9984 : i32
    %add3A_37 = arith.addi %mul3A_16, %add3A_36 : i32
    "tpu.region"() ({
      %run_scoped3A_65 = tpu.sem_alloc : memref<!tpu.dma_semaphore, #tpu.memory_space<semaphore_mem>>
      %dma_start3A_66 = tpu.memref_slice %arg4[%add3A_37] : memref<320000xi32, #tpu.memory_space<hbm>> -> memref<16xi32, #tpu.memory_space<hbm>>
      %dma_start3A_67 = tpu.memref_slice %arg4[%add3A_37] : memref<320000xi32, #tpu.memory_space<hbm>> -> memref<16xi32, #tpu.memory_space<hbm>>
      tpu.enqueue_dma source(%dma_start3A_67 : memref<16xi32, #tpu.memory_space<hbm>>) target(%arg11 : memref<16xi32, #tpu.memory_space<vmem>>) target_semaphore(%run_scoped3A_65 : memref<!tpu.dma_semaphore, #tpu.memory_space<semaphore_mem>>)
      %dma_wait3A_68 = tpu.memref_slice %arg4[%add3A_37] : memref<320000xi32, #tpu.memory_space<hbm>> -> memref<16xi32, #tpu.memory_space<hbm>>
      %dma_wait3A_69 = tpu.memref_slice %arg4[%add3A_37] : memref<320000xi32, #tpu.memory_space<hbm>> -> memref<16xi32, #tpu.memory_space<hbm>>
      tpu.wait_dma2 semaphore(%run_scoped3A_65 : memref<!tpu.dma_semaphore, #tpu.memory_space<semaphore_mem>>) src(%dma_wait3A_69 : memref<16xi32, #tpu.memory_space<hbm>>) dst(%arg11 : memref<16xi32, #tpu.memory_space<vmem>>)
      tpu.yield
    }) : () -> ()
    %dma_start3A_38 = arith.constant 0 : i32
    %dma_start3A_39 = arith.constant 0 : i32
    %dma_start3A_40 = arith.constant 0 : i32
    %dma_start3A_41 = tpu.memref_slice %arg12[%dma_start3A_38, %dma_start3A_39, %dma_start3A_40] : memref<2x128x128xf32, #tpu.memory_space<vmem>> -> memref<1x16x128xf32, #tpu.memory_space<vmem>>
    %dma_start3A_42 = tpu.memref_squeeze %dma_start3A_41 : memref<1x16x128xf32, #tpu.memory_space<vmem>> -> memref<16x128xf32, #tpu.memory_space<vmem>>
    %dma_start3A_43 = arith.constant 0 : i32
    %dma_start3A_44 = arith.constant 0 : i32
    %dma_start3A_45 = tpu.memref_slice %arg2[%dma_start3A_43, %dma_start3A_44] : memref<10000x128xf32, #tpu.memory_space<hbm>> -> memref<10000x128xf32, #tpu.memory_space<hbm>>
    tpu.enqueue_indirect_dma source(%dma_start3A_45 : memref<10000x128xf32, #tpu.memory_space<hbm>>) target(%dma_start3A_42 : memref<16x128xf32, #tpu.memory_space<vmem>>) offsets(%arg10 : memref<16xi32, #tpu.memory_space<vmem>>) semaphore(%arg14 : memref<!tpu.dma_semaphore, #tpu.memory_space<semaphore_mem>>)
    %dma_wait3A = arith.constant 0 : i32
    %dma_wait3A_46 = arith.constant 0 : i32
    %dma_wait3A_47 = arith.constant 0 : i32
    %dma_wait3A_48 = tpu.memref_slice %arg12[%dma_wait3A, %dma_wait3A_46, %dma_wait3A_47] : memref<2x128x128xf32, #tpu.memory_space<vmem>> -> memref<1x16x128xf32, #tpu.memory_space<vmem>>
    %dma_wait3A_49 = tpu.memref_squeeze %dma_wait3A_48 : memref<1x16x128xf32, #tpu.memory_space<vmem>> -> memref<16x128xf32, #tpu.memory_space<vmem>>
    %dma_wait3A_50 = arith.constant 0 : i32
    %dma_wait3A_51 = arith.constant 0 : i32
    %dma_wait3A_52 = tpu.memref_slice %arg2[%dma_wait3A_50, %dma_wait3A_51] : memref<10000x128xf32, #tpu.memory_space<hbm>> -> memref<10000x128xf32, #tpu.memory_space<hbm>>
    tpu.wait_indirect_dma semaphore(%arg14 : memref<!tpu.dma_semaphore, #tpu.memory_space<semaphore_mem>>) src(%dma_wait3A_52 : memref<10000x128xf32, #tpu.memory_space<hbm>>) dst(%dma_wait3A_49 : memref<16x128xf32, #tpu.memory_space<vmem>>)
    %run_scoped3A = arith.constant 0 : i32
    "tpu.region"() ({
      %run_scoped3A_65 = tpu.sem_alloc : memref<!tpu.dma_semaphore, #tpu.memory_space<semaphore_mem>>
      %dma_start3A_66 = arith.constant 0 : i32
      %dma_start3A_67 = arith.constant 0 : i32
      %dma_start3A_68 = tpu.memref_slice %arg12[%run_scoped3A, %dma_start3A_66, %dma_start3A_67] : memref<2x128x128xf32, #tpu.memory_space<vmem>> -> memref<1x16x128xf32, #tpu.memory_space<vmem>>
      %dma_start3A_69 = tpu.memref_squeeze %dma_start3A_68 : memref<1x16x128xf32, #tpu.memory_space<vmem>> -> memref<16x128xf32, #tpu.memory_space<vmem>>
      %dma_start3A_70 = arith.constant 0 : i32
      %dma_start3A_71 = arith.constant 0 : i32
      %dma_start3A_72 = tpu.memref_slice %arg13[%dma_start3A_70, %dma_start3A_71] : memref<10000x128xf32, #tpu.memory_space<vmem_shared>> -> memref<10000x128xf32, #tpu.memory_space<vmem_shared>>
      tpu.enqueue_indirect_dma source(%dma_start3A_69 : memref<16x128xf32, #tpu.memory_space<vmem>>) target(%dma_start3A_72 : memref<10000x128xf32, #tpu.memory_space<vmem_shared>>) offsets(%arg11 : memref<16xi32, #tpu.memory_space<vmem>>) semaphore(%run_scoped3A_65 : memref<!tpu.dma_semaphore, #tpu.memory_space<semaphore_mem>>) {add = true}
      %dma_wait3A_73 = arith.constant 0 : i32
      %dma_wait3A_74 = arith.constant 0 : i32
      %dma_wait3A_75 = tpu.memref_slice %arg12[%run_scoped3A, %dma_wait3A_73, %dma_wait3A_74] : memref<2x128x128xf32, #tpu.memory_space<vmem>> -> memref<1x16x128xf32, #tpu.memory_space<vmem>>
      %dma_wait3A_76 = tpu.memref_squeeze %dma_wait3A_75 : memref<1x16x128xf32, #tpu.memory_space<vmem>> -> memref<16x128xf32, #tpu.memory_space<vmem>>
      %dma_wait3A_77 = arith.constant 0 : i32
      %dma_wait3A_78 = arith.constant 0 : i32
      %dma_wait3A_79 = tpu.memref_slice %arg13[%dma_wait3A_77, %dma_wait3A_78] : memref<10000x128xf32, #tpu.memory_space<vmem_shared>> -> memref<10000x128xf32, #tpu.memory_space<vmem_shared>>
      tpu.wait_indirect_dma semaphore(%run_scoped3A_65 : memref<!tpu.dma_semaphore, #tpu.memory_space<semaphore_mem>>) src(%dma_wait3A_76 : memref<16x128xf32, #tpu.memory_space<vmem>>) dst(%dma_wait3A_79 : memref<10000x128xf32, #tpu.memory_space<vmem_shared>>)
      tpu.yield
    }) : () -> ()
    %barrier3A_53 = arith.constant 0 : index
    tpu.barrier barrier_id(%barrier3A_53)
    %scan3A_54 = arith.constant 0 : i32
    %scan3A_55 = arith.constant 0 : i32
    %scan3A_56 = arith.constant 5 : i32
    %scan3A_57 = arith.addi %scan3A_55, %scan3A_56 : i32
    %scan3A_58 = arith.constant 1 : i32
    scf.for %scan3A_65 = %scan3A_55 to %scan3A_57 step %scan3A_58  : i32 {
      %mul3A_66 = arith.constant 16 : i32
      %mul3A_67 = arith.muli %mul3A_66, %scan3A_65 : i32
      %add3A_68 = arith.addi %arg1, %mul3A_67 : i32
      %lt3A = arith.constant 78 : i32
      %lt3A_69 = arith.cmpi slt, %add3A_68, %lt3A : i32
      %convert_element_type3A_70 = arith.extui %lt3A_69 : i1 to i32
      %cond3A_71 = arith.constant 0 : i32
      %cond3A_72 = arith.cmpi ne, %convert_element_type3A_70, %cond3A_71 : i32
      scf.if %cond3A_72 {
        %mul3A_73 = arith.constant 128 : i32
        %mul3A_74 = arith.muli %add3A_68, %mul3A_73 : i32
        %mul3A_75 = arith.constant 128 : i32
        %mul3A_76 = arith.muli %add3A_68, %mul3A_75 : i32
        "tpu.region"() ({
          %run_scoped3A_77 = tpu.sem_alloc : memref<!tpu.dma_semaphore, #tpu.memory_space<semaphore_mem>>
          %dma_start3A_78 = arith.constant 0 : i32
          %dma_start3A_79 = arith.constant 0 : i32
          %dma_start3A_80 = tpu.memref_slice %arg5[%arg0, %dma_start3A_78, %dma_start3A_79] : memref<2x10000x128xf32, #tpu.memory_space<hbm>> -> memref<1x10000x128xf32, #tpu.memory_space<hbm>>
          %dma_start3A_81 = tpu.memref_squeeze %dma_start3A_80 : memref<1x10000x128xf32, #tpu.memory_space<hbm>> -> memref<10000x128xf32, #tpu.memory_space<hbm>>
          %dma_start3A_82 = arith.constant 0 : i32
          %dma_start3A_83 = tpu.memref_slice %dma_start3A_81[%mul3A_76, %dma_start3A_82] : memref<10000x128xf32, #tpu.memory_space<hbm>> -> memref<128x128xf32, #tpu.memory_space<hbm>>
          %dma_start3A_84 = arith.constant 0 : i32
          %dma_start3A_85 = tpu.memref_slice %arg13[%mul3A_74, %dma_start3A_84] : memref<10000x128xf32, #tpu.memory_space<vmem_shared>> -> memref<128x128xf32, #tpu.memory_space<vmem_shared>>
          tpu.enqueue_dma source(%dma_start3A_85 : memref<128x128xf32, #tpu.memory_space<vmem_shared>>) target(%dma_start3A_83 : memref<128x128xf32, #tpu.memory_space<hbm>>) target_semaphore(%run_scoped3A_77 : memref<!tpu.dma_semaphore, #tpu.memory_space<semaphore_mem>>)
          %dma_wait3A_86 = arith.constant 0 : i32
          %dma_wait3A_87 = arith.constant 0 : i32
          %dma_wait3A_88 = tpu.memref_slice %arg5[%arg0, %dma_wait3A_86, %dma_wait3A_87] : memref<2x10000x128xf32, #tpu.memory_space<hbm>> -> memref<1x10000x128xf32, #tpu.memory_space<hbm>>
          %dma_wait3A_89 = tpu.memref_squeeze %dma_wait3A_88 : memref<1x10000x128xf32, #tpu.memory_space<hbm>> -> memref<10000x128xf32, #tpu.memory_space<hbm>>
          %dma_wait3A_90 = arith.constant 0 : i32
          %dma_wait3A_91 = tpu.memref_slice %dma_wait3A_89[%mul3A_76, %dma_wait3A_90] : memref<10000x128xf32, #tpu.memory_space<hbm>> -> memref<128x128xf32, #tpu.memory_space<hbm>>
          %dma_wait3A_92 = arith.constant 0 : i32
          %dma_wait3A_93 = tpu.memref_slice %arg13[%mul3A_74, %dma_wait3A_92] : memref<10000x128xf32, #tpu.memory_space<vmem_shared>> -> memref<128x128xf32, #tpu.memory_space<vmem_shared>>
          tpu.wait_dma2 semaphore(%run_scoped3A_77 : memref<!tpu.dma_semaphore, #tpu.memory_space<semaphore_mem>>) src(%dma_wait3A_93 : memref<128x128xf32, #tpu.memory_space<vmem_shared>>) dst(%dma_wait3A_91 : memref<128x128xf32, #tpu.memory_space<hbm>>)
          tpu.yield
        }) : () -> ()
      } else {
      }
    }
    %scan3A_59 = arith.constant 5 : i32
    %eq3A_60 = arith.constant 15 : i32
    %eq3A_61 = arith.cmpi eq, %arg1, %eq3A_60 : i32
    %convert_element_type3A_62 = arith.extui %eq3A_61 : i1 to i32
    %cond3A_63 = arith.constant 0 : i32
    %cond3A_64 = arith.cmpi ne, %convert_element_type3A_62, %cond3A_63 : i32
    scf.if %cond3A_64 {
      "tpu.region"() ({
        %run_scoped3A_65 = tpu.sem_alloc : memref<!tpu.dma_semaphore, #tpu.memory_space<semaphore_mem>>
        %dma_start3A_66 = arith.constant 0 : i32
        %dma_start3A_67 = arith.constant 0 : i32
        %dma_start3A_68 = tpu.memref_slice %arg5[%arg0, %dma_start3A_66, %dma_start3A_67] : memref<2x10000x128xf32, #tpu.memory_space<hbm>> -> memref<1x10000x128xf32, #tpu.memory_space<hbm>>
        %dma_start3A_69 = tpu.memref_squeeze %dma_start3A_68 : memref<1x10000x128xf32, #tpu.memory_space<hbm>> -> memref<10000x128xf32, #tpu.memory_space<hbm>>
        %dma_start3A_70 = arith.constant 9984 : i32
        %dma_start3A_71 = arith.constant 0 : i32
        %dma_start3A_72 = tpu.memref_slice %dma_start3A_69[%dma_start3A_70, %dma_start3A_71] : memref<10000x128xf32, #tpu.memory_space<hbm>> -> memref<16x128xf32, #tpu.memory_space<hbm>>
        %dma_start3A_73 = arith.constant 9984 : i32
        %dma_start3A_74 = arith.constant 0 : i32
        %dma_start3A_75 = tpu.memref_slice %arg13[%dma_start3A_73, %dma_start3A_74] : memref<10000x128xf32, #tpu.memory_space<vmem_shared>> -> memref<16x128xf32, #tpu.memory_space<vmem_shared>>
        tpu.enqueue_dma source(%dma_start3A_75 : memref<16x128xf32, #tpu.memory_space<vmem_shared>>) target(%dma_start3A_72 : memref<16x128xf32, #tpu.memory_space<hbm>>) target_semaphore(%run_scoped3A_65 : memref<!tpu.dma_semaphore, #tpu.memory_space<semaphore_mem>>)
        %dma_wait3A_76 = arith.constant 0 : i32
        %dma_wait3A_77 = arith.constant 0 : i32
        %dma_wait3A_78 = tpu.memref_slice %arg5[%arg0, %dma_wait3A_76, %dma_wait3A_77] : memref<2x10000x128xf32, #tpu.memory_space<hbm>> -> memref<1x10000x128xf32, #tpu.memory_space<hbm>>
        %dma_wait3A_79 = tpu.memref_squeeze %dma_wait3A_78 : memref<1x10000x128xf32, #tpu.memory_space<hbm>> -> memref<10000x128xf32, #tpu.memory_space<hbm>>
        %dma_wait3A_80 = arith.constant 9984 : i32
        %dma_wait3A_81 = arith.constant 0 : i32
        %dma_wait3A_82 = tpu.memref_slice %dma_wait3A_79[%dma_wait3A_80, %dma_wait3A_81] : memref<10000x128xf32, #tpu.memory_space<hbm>> -> memref<16x128xf32, #tpu.memory_space<hbm>>
        %dma_wait3A_83 = arith.constant 9984 : i32
        %dma_wait3A_84 = arith.constant 0 : i32
        %dma_wait3A_85 = tpu.memref_slice %arg13[%dma_wait3A_83, %dma_wait3A_84] : memref<10000x128xf32, #tpu.memory_space<vmem_shared>> -> memref<16x128xf32, #tpu.memory_space<vmem_shared>>
        tpu.wait_dma2 semaphore(%run_scoped3A_65 : memref<!tpu.dma_semaphore, #tpu.memory_space<semaphore_mem>>) src(%dma_wait3A_85 : memref<16x128xf32, #tpu.memory_space<vmem_shared>>) dst(%dma_wait3A_82 : memref<16x128xf32, #tpu.memory_space<hbm>>)
        tpu.yield
      }) : () -> ()
    } else {
    }
    return
  }
}

#map = affine_map<(d0, d1) -> (0)>
module attributes {stable_mosaic.version = 14 : i64} {
  func.func @_deg_kernel(%arg0: i32, %arg1: i32, %arg2: memref<320000xi32, #tpu.memory_space<hbm>>, %arg3: memref<320000xf32, #tpu.memory_space<hbm>>, %arg4: memref<10000xi32, #tpu.memory_space<vmem>>, %arg5: memref<10000xf32, #tpu.memory_space<vmem>>) attributes {dimension_semantics = [#tpu.dimension_semantics<core_parallel>, #tpu.dimension_semantics<subcore_parallel>], iteration_bounds = array<i64: 2, 16>, scalar_prefetch = 0 : i64, scratch_operands = 2 : i64, tpu.core_type = #tpu.core_type<sc_vector_subcore>, window_params = [{transform_indices = #map}, {transform_indices = #map}]} {
    %mul3A = arith.constant 2 : i32
    %mul3A_0 = arith.muli %arg1, %mul3A : i32
    %add3A = arith.addi %mul3A_0, %arg0 : i32
    %broadcast_in_dim3A = arith.constant 0.000000e+00 : f32
    %broadcast_in_dim3A_1 = vector.broadcast %broadcast_in_dim3A : f32 to vector<16xf32>
    %scan3A = arith.constant 0 : i32
    %scan3A_2 = arith.constant 0 : i32
    %scan3A_3 = arith.constant 625 : i32
    %scan3A_4 = arith.addi %scan3A_2, %scan3A_3 : i32
    %scan3A_5 = arith.constant 1 : i32
    scf.for %scan3A_19 = %scan3A_2 to %scan3A_4 step %scan3A_5  : i32 {
      %mul3A_20 = arith.constant 16 : i32
      %mul3A_21 = arith.muli %scan3A_19, %mul3A_20 : i32
      %swap3A = arith.index_cast %mul3A_21 : i32 to index
      %swap3A_22 = tpu.vector_load %arg5[%swap3A] {strides = array<i32>} : memref<10000xf32, #tpu.memory_space<vmem>>, vector<16xf32>,
      tpu.vector_store %arg5[%swap3A], %broadcast_in_dim3A_1 {strides = array<i32>} : memref<10000xf32, #tpu.memory_space<vmem>>, vector<16xf32>,
    }
    %scan3A_6 = arith.constant 625 : i32
    %mul3A_7 = arith.constant 10000 : i32
    %mul3A_8 = arith.muli %add3A, %mul3A_7 : i32
    "tpu.region"() ({
      %run_scoped3A = tpu.sem_alloc : memref<!tpu.dma_semaphore, #tpu.memory_space<semaphore_mem>>
      %dma_start3A = tpu.memref_slice %arg2[%mul3A_8] : memref<320000xi32, #tpu.memory_space<hbm>> -> memref<10000xi32, #tpu.memory_space<hbm>>
      %dma_start3A_19 = tpu.memref_slice %arg2[%mul3A_8] : memref<320000xi32, #tpu.memory_space<hbm>> -> memref<10000xi32, #tpu.memory_space<hbm>>
      tpu.enqueue_dma source(%dma_start3A_19 : memref<10000xi32, #tpu.memory_space<hbm>>) target(%arg4 : memref<10000xi32, #tpu.memory_space<vmem>>) target_semaphore(%run_scoped3A : memref<!tpu.dma_semaphore, #tpu.memory_space<semaphore_mem>>)
      %dma_wait3A = tpu.memref_slice %arg2[%mul3A_8] : memref<320000xi32, #tpu.memory_space<hbm>> -> memref<10000xi32, #tpu.memory_space<hbm>>
      %dma_wait3A_20 = tpu.memref_slice %arg2[%mul3A_8] : memref<320000xi32, #tpu.memory_space<hbm>> -> memref<10000xi32, #tpu.memory_space<hbm>>
      tpu.wait_dma2 semaphore(%run_scoped3A : memref<!tpu.dma_semaphore, #tpu.memory_space<semaphore_mem>>) src(%dma_wait3A_20 : memref<10000xi32, #tpu.memory_space<hbm>>) dst(%arg4 : memref<10000xi32, #tpu.memory_space<vmem>>)
      tpu.yield
    }) : () -> ()
    %broadcast_in_dim3A_9 = arith.constant 1.000000e+00 : f32
    %broadcast_in_dim3A_10 = vector.broadcast %broadcast_in_dim3A_9 : f32 to vector<16xf32>
    %scan3A_11 = arith.constant 0 : i32
    %scan3A_12 = arith.constant 0 : i32
    %scan3A_13 = arith.constant 625 : i32
    %scan3A_14 = arith.addi %scan3A_12, %scan3A_13 : i32
    %scan3A_15 = arith.constant 1 : i32
    scf.for %scan3A_19 = %scan3A_12 to %scan3A_14 step %scan3A_15  : i32 {
      %mul3A_20 = arith.constant 16 : i32
      %mul3A_21 = arith.muli %scan3A_19, %mul3A_20 : i32
      %get3A = arith.index_cast %mul3A_21 : i32 to index
      %get3A_22 = tpu.vector_load %arg4[%get3A] {strides = array<i32>} : memref<10000xi32, #tpu.memory_space<vmem>>, vector<16xi32>,
      tpu.vector_store_idx %arg5[%get3A_22], %broadcast_in_dim3A_10 {add = true} : memref<10000xf32, #tpu.memory_space<vmem>>[vector<16xi32>], vector<16xf32>,
    }
    %scan3A_16 = arith.constant 625 : i32
    %mul3A_17 = arith.constant 10000 : i32
    %mul3A_18 = arith.muli %add3A, %mul3A_17 : i32
    "tpu.region"() ({
      %run_scoped3A = tpu.sem_alloc : memref<!tpu.dma_semaphore, #tpu.memory_space<semaphore_mem>>
      %dma_start3A = tpu.memref_slice %arg3[%mul3A_18] : memref<320000xf32, #tpu.memory_space<hbm>> -> memref<10000xf32, #tpu.memory_space<hbm>>
      %dma_start3A_19 = tpu.memref_slice %arg3[%mul3A_18] : memref<320000xf32, #tpu.memory_space<hbm>> -> memref<10000xf32, #tpu.memory_space<hbm>>
      tpu.enqueue_dma source(%arg5 : memref<10000xf32, #tpu.memory_space<vmem>>) target(%dma_start3A_19 : memref<10000xf32, #tpu.memory_space<hbm>>) target_semaphore(%run_scoped3A : memref<!tpu.dma_semaphore, #tpu.memory_space<semaphore_mem>>)
      %dma_wait3A = tpu.memref_slice %arg3[%mul3A_18] : memref<320000xf32, #tpu.memory_space<hbm>> -> memref<10000xf32, #tpu.memory_space<hbm>>
      %dma_wait3A_20 = tpu.memref_slice %arg3[%mul3A_18] : memref<320000xf32, #tpu.memory_space<hbm>> -> memref<10000xf32, #tpu.memory_space<hbm>>
      tpu.wait_dma2 semaphore(%run_scoped3A : memref<!tpu.dma_semaphore, #tpu.memory_space<semaphore_mem>>) src(%arg5 : memref<10000xf32, #tpu.memory_space<vmem>>) dst(%dma_wait3A_20 : memref<10000xf32, #tpu.memory_space<hbm>>)
      tpu.yield
    }) : () -> ()
    return
  }
}

module attributes {stable_mosaic.version = 14 : i64} {
  func.func @_mm_body(%arg0: i32, %arg1: memref<1000x128xf32, #tpu.memory_space<vmem>>, %arg2: memref<128x128xf32, #tpu.memory_space<vmem>>, %arg3: memref<1000x32xf32, #tpu.memory_space<vmem>>, %arg4: memref<1000x128xf32, #tpu.memory_space<vmem>>, %arg5: memref<1000x1xf32, #tpu.memory_space<vmem>>) attributes {dimension_semantics = [#tpu.dimension_semantics<arbitrary>], iteration_bounds = array<i64: 10>, scalar_prefetch = 0 : i64, scratch_operands = 0 : i64, tpu.core_type = #tpu.core_type<tc>, window_params = [{transform_indices = @transform_0, window_bounds = array<i64: 1000, 128>}, {pipeline_mode = #tpu.pipeline_mode<synchronous>, transform_indices = @transform_1, window_bounds = array<i64: 128, 128>}, {transform_indices = @transform_2, window_bounds = array<i64: 1000, 32>}, {transform_indices = @transform_3, window_bounds = array<i64: 1000, 128>}, {transform_indices = @transform_4, window_bounds = array<i64: 1000, 1>}]} {
    %get3A = arith.constant 0 : index
    %get3A_0 = arith.constant 0 : index
    %get3A_1 = vector.load %arg1[%get3A, %get3A_0] : memref<1000x128xf32, #tpu.memory_space<vmem>>, vector<1000x128xf32>
    %get3A_2 = arith.constant 0 : index
    %get3A_3 = arith.constant 0 : index
    %get3A_4 = vector.load %arg2[%get3A_2, %get3A_3] : memref<128x128xf32, #tpu.memory_space<vmem>>, vector<128x128xf32>
    %dot_general3A = arith.constant dense<0.000000e+00> : vector<1000x128xf32>
    %dot_general3A_5 = tpu.matmul %get3A_1, %get3A_4, %dot_general3A {dimension_numbers = #tpu.dot_dimension_numbers<[1], [0], [0], [1], [0, 0, 1, 1], [], []>, transpose_lhs_hint = false} : vector<1000x128xf32>, vector<128x128xf32>, vector<1000x128xf32> -> vector<1000x128xf32>
    %get3A_6 = arith.constant 0 : index
    %get3A_7 = arith.constant 0 : index
    %get3A_8 = vector.load %arg3[%get3A_6, %get3A_7] : memref<1000x32xf32, #tpu.memory_space<vmem>>, vector<1000x32xf32>
    %reduce_sum3A = arith.constant dense<0.000000e+00> : vector<1000xf32>
    %reduce_sum3A_9 = vector.multi_reduction <add>, %get3A_8, %reduce_sum3A [1] : vector<1000x32xf32> to vector<1000xf32>
    %broadcast_in_dim3A = vector.shape_cast %reduce_sum3A_9 : vector<1000xf32> to vector<1000x1xf32>
    %add3A = arith.constant 1.000000e+00 : f32
    %add3A_10 = vector.broadcast %add3A : f32 to vector<1000x1xf32>
    %add3A_11 = arith.addf %add3A_10, %broadcast_in_dim3A : vector<1000x1xf32>
    %rsqrt3A = math.rsqrt %add3A_11 : vector<1000x1xf32>
    %mul3A = vector.broadcast %rsqrt3A : vector<1000x1xf32> to vector<1000x128xf32>
    %mul3A_12 = arith.mulf %dot_general3A_5, %mul3A : vector<1000x128xf32>
    %swap3A = arith.constant 0 : index
    %swap3A_13 = arith.constant 0 : index
    %swap3A_14 = vector.load %arg4[%swap3A, %swap3A_13] : memref<1000x128xf32, #tpu.memory_space<vmem>>, vector<1000x128xf32>
    tpu.vector_store %arg4[%swap3A, %swap3A_13], %mul3A_12 {strides = array<i32>} : memref<1000x128xf32, #tpu.memory_space<vmem>>, vector<1000x128xf32>,
    %swap3A_15 = arith.constant 0 : index
    %swap3A_16 = arith.constant 0 : index
    %swap3A_17 = vector.load %arg5[%swap3A_15, %swap3A_16] : memref<1000x1xf32, #tpu.memory_space<vmem>>, vector<1000x1xf32>
    tpu.vector_store %arg5[%swap3A_15, %swap3A_16], %rsqrt3A {strides = array<i32>} : memref<1000x1xf32, #tpu.memory_space<vmem>>, vector<1000x1xf32>,
    return
  }
  func.func @transform_0(%arg0: i32) -> (i32, i32) {
    %c0_i32 = arith.constant 0 : i32
    %c0_i32_0 = arith.constant 0 : i32
    return %arg0, %c0_i32 : i32, i32
  }
  func.func @transform_1(%arg0: i32) -> (i32, i32) {
    %c0_i32 = arith.constant 0 : i32
    %c0_i32_0 = arith.constant 0 : i32
    %c0_i32_1 = arith.constant 0 : i32
    return %c0_i32, %c0_i32_0 : i32, i32
  }
  func.func @transform_2(%arg0: i32) -> (i32, i32) {
    %c0_i32 = arith.constant 0 : i32
    %c0_i32_0 = arith.constant 0 : i32
    return %arg0, %c0_i32 : i32, i32
  }
  func.func @transform_3(%arg0: i32) -> (i32, i32) {
    %c0_i32 = arith.constant 0 : i32
    %c0_i32_0 = arith.constant 0 : i32
    return %arg0, %c0_i32 : i32, i32
  }
  func.func @transform_4(%arg0: i32) -> (i32, i32) {
    %c0_i32 = arith.constant 0 : i32
    %c0_i32_0 = arith.constant 0 : i32
    return %arg0, %c0_i32 : i32, i32
  }
}

module attributes {stable_mosaic.version = 14 : i64} {
  func.func @_fin_body(%arg0: i32, %arg1: memref<2x1000x128xf32, #tpu.memory_space<vmem>>, %arg2: memref<1000x128xf32, #tpu.memory_space<vmem>>, %arg3: memref<1000x1xf32, #tpu.memory_space<vmem>>, %arg4: memref<1x128xf32, #tpu.memory_space<vmem>>, %arg5: memref<1000x128xf32, #tpu.memory_space<vmem>>) attributes {dimension_semantics = [#tpu.dimension_semantics<arbitrary>], iteration_bounds = array<i64: 10>, scalar_prefetch = 0 : i64, scratch_operands = 0 : i64, tpu.core_type = #tpu.core_type<tc>, window_params = [{transform_indices = @transform_0, window_bounds = array<i64: 2, 1000, 128>}, {transform_indices = @transform_1, window_bounds = array<i64: 1000, 128>}, {transform_indices = @transform_2, window_bounds = array<i64: 1000, 1>}, {pipeline_mode = #tpu.pipeline_mode<synchronous>, transform_indices = @transform_3, window_bounds = array<i64: 1, 128>}, {transform_indices = @transform_4, window_bounds = array<i64: 1000, 128>}]} {
    %get3A = arith.constant 0 : index
    %get3A_0 = arith.constant 0 : index
    %get3A_1 = arith.constant 0 : index
    %get3A_2 = vector.load %arg1[%get3A, %get3A_0, %get3A_1] : memref<2x1000x128xf32, #tpu.memory_space<vmem>>, vector<1x1000x128xf32>
    %get3A_3 = vector.shape_cast %get3A_2 : vector<1x1000x128xf32> to vector<1000x128xf32>
    %get3A_4 = arith.constant 1 : index
    %get3A_5 = arith.constant 0 : index
    %get3A_6 = arith.constant 0 : index
    %get3A_7 = vector.load %arg1[%get3A_4, %get3A_5, %get3A_6] : memref<2x1000x128xf32, #tpu.memory_space<vmem>>, vector<1x1000x128xf32>
    %get3A_8 = vector.shape_cast %get3A_7 : vector<1x1000x128xf32> to vector<1000x128xf32>
    %add3A = arith.addf %get3A_3, %get3A_8 : vector<1000x128xf32>
    %get3A_9 = arith.constant 0 : index
    %get3A_10 = arith.constant 0 : index
    %get3A_11 = vector.load %arg2[%get3A_9, %get3A_10] : memref<1000x128xf32, #tpu.memory_space<vmem>>, vector<1000x128xf32>
    %add3A_12 = arith.addf %add3A, %get3A_11 : vector<1000x128xf32>
    %get3A_13 = arith.constant 0 : index
    %get3A_14 = arith.constant 0 : index
    %get3A_15 = vector.load %arg3[%get3A_13, %get3A_14] : memref<1000x1xf32, #tpu.memory_space<vmem>>, vector<1000x1xf32>
    %mul3A = vector.broadcast %get3A_15 : vector<1000x1xf32> to vector<1000x128xf32>
    %mul3A_16 = arith.mulf %add3A_12, %mul3A : vector<1000x128xf32>
    %get3A_17 = arith.constant 0 : index
    %get3A_18 = arith.constant 0 : index
    %get3A_19 = vector.load %arg4[%get3A_17, %get3A_18] : memref<1x128xf32, #tpu.memory_space<vmem>>, vector<1x128xf32>
    %add3A_20 = vector.broadcast %get3A_19 : vector<1x128xf32> to vector<1000x128xf32>
    %add3A_21 = arith.addf %mul3A_16, %add3A_20 : vector<1000x128xf32>
    %reduce_max3A = arith.constant dense<0xFF800000> : vector<1000xf32>
    %reduce_max3A_22 = vector.multi_reduction <maximumf>, %add3A_21, %reduce_max3A [1] : vector<1000x128xf32> to vector<1000xf32>
    %broadcast_in_dim3A = vector.shape_cast %reduce_max3A_22 : vector<1000xf32> to vector<1000x1xf32>
    %reduce_min3A = arith.constant dense<0x7F800000> : vector<1000xf32>
    %reduce_min3A_23 = vector.multi_reduction <minimumf>, %add3A_21, %reduce_min3A [1] : vector<1000x128xf32> to vector<1000xf32>
    %broadcast_in_dim3A_24 = vector.shape_cast %reduce_min3A_23 : vector<1000xf32> to vector<1000x1xf32>
    %sub3A = vector.broadcast %broadcast_in_dim3A_24 : vector<1000x1xf32> to vector<1000x128xf32>
    %sub3A_25 = arith.subf %add3A_21, %sub3A : vector<1000x128xf32>
    %sub3A_26 = arith.subf %broadcast_in_dim3A, %broadcast_in_dim3A_24 : vector<1000x1xf32>
    %div3A = vector.broadcast %sub3A_26 : vector<1000x1xf32> to vector<1000x128xf32>
    %div3A_27 = arith.divf %sub3A_25, %div3A : vector<1000x128xf32>
    %mul3A_28 = arith.mulf %div3A_27, %div3A_27 : vector<1000x128xf32>
    %reduce_sum3A = arith.constant dense<0.000000e+00> : vector<1000xf32>
    %reduce_sum3A_29 = vector.multi_reduction <add>, %mul3A_28, %reduce_sum3A [1] : vector<1000x128xf32> to vector<1000xf32>
    %broadcast_in_dim3A_30 = vector.shape_cast %reduce_sum3A_29 : vector<1000xf32> to vector<1000x1xf32>
    %sqrt3A = math.sqrt %broadcast_in_dim3A_30 : vector<1000x1xf32>
    %max3A = arith.constant 9.99999996E-13 : f32
    %max3A_31 = vector.broadcast %max3A : f32 to vector<1000x1xf32>
    %max3A_32 = arith.maximumf %sqrt3A, %max3A_31 : vector<1000x1xf32>
    %div3A_33 = vector.broadcast %max3A_32 : vector<1000x1xf32> to vector<1000x128xf32>
    %div3A_34 = arith.divf %div3A_27, %div3A_33 : vector<1000x128xf32>
    %swap3A = arith.constant 0 : index
    %swap3A_35 = arith.constant 0 : index
    %swap3A_36 = vector.load %arg5[%swap3A, %swap3A_35] : memref<1000x128xf32, #tpu.memory_space<vmem>>, vector<1000x128xf32>
    tpu.vector_store %arg5[%swap3A, %swap3A_35], %div3A_34 {strides = array<i32>} : memref<1000x128xf32, #tpu.memory_space<vmem>>, vector<1000x128xf32>,
    return
  }
  func.func @transform_0(%arg0: i32) -> (i32, i32, i32) {
    %c0_i32 = arith.constant 0 : i32
    %c0_i32_0 = arith.constant 0 : i32
    %c0_i32_1 = arith.constant 0 : i32
    return %c0_i32, %arg0, %c0_i32_0 : i32, i32, i32
  }
  func.func @transform_1(%arg0: i32) -> (i32, i32) {
    %c0_i32 = arith.constant 0 : i32
    %c0_i32_0 = arith.constant 0 : i32
    return %arg0, %c0_i32 : i32, i32
  }
  func.func @transform_2(%arg0: i32) -> (i32, i32) {
    %c0_i32 = arith.constant 0 : i32
    %c0_i32_0 = arith.constant 0 : i32
    return %arg0, %c0_i32 : i32, i32
  }
  func.func @transform_3(%arg0: i32) -> (i32, i32) {
    %c0_i32 = arith.constant 0 : i32
    %c0_i32_0 = arith.constant 0 : i32
    %c0_i32_1 = arith.constant 0 : i32
    return %c0_i32, %c0_i32_0 : i32, i32
  }
  func.func @transform_4(%arg0: i32) -> (i32, i32) {
    %c0_i32 = arith.constant 0 : i32
    %c0_i32_0 = arith.constant 0 : i32
    return %arg0, %c0_i32 : i32, i32
  }
}

</mosaic_0001>

<sc_bundles>
// kernel: kernel.6.cloned.1.call-start
scs
__scs_entry_jumppad:
0x0: {  	(pc) =	sbr.rel $0x88, $3  }
0x1: {  	(tag) =	ssettag $0x0;
	lr =	simm.s32 $0x1  }
0x2: {  	[smem:$0x3F9D] =	sst lr;
	_ =	strace $0xD0000000  }
0x3: {  	_ = 	snop  }
0x4: {  	_ = 	snop  }
0x5: {  	_ = 	snop  }
0x6: {  	_ = 	snop  }
0x7: {  	_ = 	snop  }
__scs_overlays_trampoline_lowered:
0x8: {  	[smem:$0x3FAC] =	sst s0  }
0x9: {  	[smem:$0x3FAD] =	sst s1  }
0xa: {  	[smem:$0x3FAE] =	sst s2  }
0xb: {  	[smem:$0x3FAF] =	sst s3  }
0xc: {  	[smem:$0x3FB0] =	sst s4  }
0xd: {  	[smem:$0x3FB1] =	sst s5  }
0xe: {  	[smem:$0x3FB2] =	sst s6  }
0xf: {  	[smem:$0x3FB3] =	sst s7  }
0x10: {  	[smem:$0x3FB4] =	sst s8  }
0x11: {  	[smem:$0x3FB5] =	sst s9;
	s0 =	simm.s32 @!p0 $0x0  }
0x12: {  	s1 =	sld [smem:$0x3F9B];
	s0 =	simm.s32 @p0 $0x1  }
0x13: {  	[smem:$0x3FB6] =	sst s0;
	s0 =	simm.s32 @!p1 $0x0  }
0x14: {  	s2 =	sld [smem:$0x3F9A];
	s0 =	simm.s32 @p1 $0x1  }
0x15: {  	[smem:$0x3FB7] =	sst s0;
	s0 =	simm.s32 @!p2 $0x0  }
0x16: {  	s3 =	sld [smem:$0x3FDB];
	s0 =	simm.s32 @p2 $0x1  }
0x17: {  	s4 =	simm.s32 $0x1BF5;
	[smem:$0x3FB9] =	sst s0  }
0x18: {  	s0 =	sld [smem:$0x3F9C];
	_ =	swait.ge [sflag:s4], $0x0  }
0x19: {  	s7 =	sld [smem:$0x3F9D]  }
0x1a: {  	s8 =	sadd.s32 $0xFFFFE003, lr  }
0x1b: {  	s9 =	sadd.s32 $0xFFFFFEF7, lr;
	s5 =	simm.s32 $0xFFFFFFFF;
	p2 =	slt.u32 s8, $0xFFFFF086  }
0x1c: {  	p1 =	slt.u32 s9, $0xF7A;
	s5 =	simm.s32 @!p2 $0x0  }
0x1d: {  	s5 =	simm.s32 @p1 $0x1;
	p0 =	seq.s32 s7, s2  }
0x1e: {  	s7 =	smul.u32 @!p0 $0xF7A, s2;
	p2 =	seq.s32 @!p0 s5, $0x0  }
0x1f: {  	s9 =	smul.u32 $0xF7A, s1;
	s8 =	simm.s32 @!p0 $0x1BF5;
	p2 =	por !p2, p0  }
0x20: {  	[sflag:s8] =	ssyncset.s32 @!p0 $0xFFFFF086;
	s6 =	sadd.s32 @!p0 s3, s7;
	s7 =	simm.s32 @!p0 $0x108  }
0x21: {  	s3 =	sadd.s32 s3, s9;
	s6 =	sadd.s32 @!p0 $0x88, s6;
	s7 =	simm.s32 @p2 $0x1082  }
0x22: {  	[simem:s7], [sflag:s8] =	dma.local @!p0 [hbm:s6], $0xF7A  }
0x23: {  	s9 =	sor.u32 $0xD0000000, s2;
	s6 =	simm.s32 $0x108;
	_ =	swait.ge @!p0 [sflag:s8], $0x0  }
0x24: {  	s3 =	sadd.s32 $0x88, s3;
	s6 =	simm.s32 @!p1 $0x1082;
	[sflag:s4] =	ssyncset.s32 $0xFFFFF086  }
0x25: {  	[simem:s6], [sflag:s4] =	dma.local [hbm:s3], $0xF7A  }
0x26: {  	[smem:$0x3F9D] =	sst s1;
	(tag) =	ssettag s2;
	_ =	strace s9  }
0x27: {  	s1 =	sld [smem:$0x3FAD]  }
0x28: {  	s2 =	sld [smem:$0x3FAE]  }
0x29: {  	s4 =	sld [smem:$0x3FB0]  }
0x2a: {  	p0 =	seq.s32 s5, $0x0;
	s5 =	sld [smem:$0x3FB1]  }
0x2b: {  	s6 =	sld [smem:$0x3FB2]  }
0x2c: {  	s7 =	sld [smem:$0x3FB3]  }
0x2d: {  	s3 =	simm.s32 $0x108;
	s8 =	sld [smem:$0x3FB4]  }
0x2e: {  	s3 =	simm.s32 @!p0 $0x1082;
	s9 =	sld [smem:$0x3FB5]  }
0x2f: {  	lr =	sadd.s32 s0, s3;
	s0 =	sld [smem:$0x3FAC]  }
0x30: {  	s3 =	sld [smem:$0x3FAF]  }
0x31: {  	[smem:$0x3FB8] =	sst s10  }
0x32: {  	s10 =	sld [smem:$0x3FB6];
	_ =	sdelay $0x3  }
0x33: {  	p0 =	seq.s32 s10, $0x1;
	s10 =	sld [smem:$0x3FB8];
	_ =	sdelay $0x3  }
0x34: {  	[smem:$0x3FB8] =	sst s10  }
0x35: {  	s10 =	sld [smem:$0x3FB7];
	_ =	sdelay $0x3  }
0x36: {  	p1 =	seq.s32 s10, $0x1;
	s10 =	sld [smem:$0x3FB8];
	_ =	sdelay $0x3  }
0x37: {  	[smem:$0x3FB8] =	sst s10  }
0x38: {  	s10 =	sld [smem:$0x3FB9]  }
0x39: {  	_ = 	snop;
	(pc) =	sbr.ind lr, $3  }
0x3a: {  	_ = 	snop  }
0x3b: {  	_ = 	snop  }
0x3c: {  	p2 =	seq.s32 s10, $0x1;
	s10 =	sld [smem:$0x3FB8]  }
0x3d: {  	_ =	shalt  }
0x3e: {  	_ =	shalt  }
0x3f: {  	_ =	shalt  }
0x40: {  	_ =	shalt  }
0x41: {  	_ =	shalt  }
0x42: {  	_ =	shalt  }
0x43: {  	_ =	shalt  }
0x44: {  	_ =	shalt  }
0x45: {  	_ =	shalt  }
0x46: {  	_ =	shalt  }
0x47: {  	_ =	shalt  }
0x48: {  	_ =	shalt  }
0x49: {  	_ =	shalt  }
0x4a: {  	_ =	shalt  }
0x4b: {  	_ =	shalt  }
0x4c: {  	_ =	shalt  }
0x4d: {  	_ =	shalt  }
0x4e: {  	_ =	shalt  }
0x4f: {  	_ =	shalt  }
0x50: {  	_ =	shalt  }
0x51: {  	_ =	shalt  }
0x52: {  	_ =	shalt  }
0x53: {  	_ =	shalt  }
0x54: {  	_ =	shalt  }
0x55: {  	_ =	shalt  }
0x56: {  	_ =	shalt  }
0x57: {  	_ =	shalt  }
0x58: {  	_ =	shalt  }
0x59: {  	_ =	shalt  }
0x5a: {  	_ =	shalt  }
0x5b: {  	_ =	shalt  }
0x5c: {  	_ =	shalt  }
0x5d: {  	_ =	shalt  }
0x5e: {  	_ =	shalt  }
0x5f: {  	_ =	shalt  }
0x60: {  	_ =	shalt  }
0x61: {  	_ =	shalt  }
0x62: {  	_ =	shalt  }
0x63: {  	_ =	shalt  }
0x64: {  	_ =	shalt  }
0x65: {  	_ =	shalt  }
0x66: {  	_ =	shalt  }
0x67: {  	_ =	shalt  }
0x68: {  	_ =	shalt  }
0x69: {  	_ =	shalt  }
0x6a: {  	_ =	shalt  }
0x6b: {  	_ =	shalt  }
0x6c: {  	_ =	shalt  }
0x6d: {  	_ =	shalt  }
0x6e: {  	_ =	shalt  }
0x6f: {  	_ =	shalt  }
0x70: {  	_ =	shalt  }
0x71: {  	_ =	shalt  }
0x72: {  	_ =	shalt  }
0x73: {  	_ =	shalt  }
0x74: {  	_ =	shalt  }
0x75: {  	_ =	shalt  }
0x76: {  	_ =	shalt  }
0x77: {  	_ =	shalt  }
0x78: {  	_ =	shalt  }
0x79: {  	_ =	shalt  }
0x7a: {  	_ =	shalt  }
0x7b: {  	_ =	shalt  }
0x7c: {  	_ =	shalt  }
0x7d: {  	_ =	shalt  }
0x7e: {  	_ =	shalt  }
0x7f: {  	_ =	shalt  }
0x80: {  	_ =	shalt  }
0x81: {  	_ =	shalt  }
0x82: {  	_ =	shalt  }
0x83: {  	_ =	shalt  }
0x84: {  	_ =	shalt  }
0x85: {  	_ =	shalt  }
0x86: {  	_ =	shalt  }
0x87: {  	_ =	shalt  }
.Lfunc_end0:
.L_simem_size_0:
called_computation_lowered:
.L_overlay_start_0:
0x88: {  	s2 =	sld [smem:$0x3FD9]  }
0x89: {  	s3 =	sld [smem:$0x3FFE];
	_ =	sdelay $0x1  }
0x8a: {  	s1 =	srdreg.scid  }
0x8b: {  	s0 =	sand.u32 $0x1, s1  }
0x8c: {  	s17 =	sshll.u32 s0, $0xA;
	s2 =	sadd.s32 s3, s2  }
0x8d: {  	s2 =	sadd.s32 s2, s17  }
0x8e: {  	[smem:$0x3FC4] =	sst s2  }
0x8f: {  	_ = 	snop  }
0x90: {  	s2 =	sld [smem:$0x3FD0];
	(tm) =	ssettm $0x1  }
0x91: {  	s18 =	sld [smem:$0x3FFB];
	_ =	sdelay $0x3  }
0x92: {  	_ =	strace s18  }
0x93: {  	s3 =	sld [smem:$0x3FFC];
	_ =	sdelay $0x3  }
0x94: {  	_ =	strace s3  }
0x95: {  	s3 =	sld [smem:$0x3FFD];
	_ =	sdelay $0x3  }
0x96: {  	_ =	strace s3  }
0x97: {  	_ =	strace $0x8FFFFFFF  }
0x98: {  	s19 =	sld [smem:$0x3FDB];
	_ =	sdelay $0x1  }
0x99: {  	s4 =	simm.s32 $_scs_section_size  }
0x9a: {  	s5 =	simm.s32 $_size__tile_overlayer_lowered;
	s6 =	simm.s32 $_tile_overlayer_lowered  }
0x9b: {  	s22 =	simm.s32 $0x1BFF;
	s21 =	sshll.u32 s6, $0x1;
	s3 =	sadd.s32 s4, s19  }
0x9c: {  	s7 =	simm.s32 $0x0;
	s20 =	sshll.u32 s5, $0x1;
	s5 =	sadd.s32 s21, s3  }
0x9d: {  	[timem:s7], [sflag:s22] =	dma.local [hbm:s5], s20  }
0x9e: {  	_ =	swait.ge [sflag:s22], s20  }
0x9f: {  	s4 =	ssub.s32 $0x0, s20;
	[sflag:s22] =	ssyncset.done $0x0  }
0xa0: {  	[sflag:s22] =	ssyncadd.s32 s4;
	_ =	sdelay $0x1  }
0xa1: {  	s23 =	simm.s32 $0x1B8B  }
0xa2: {  	_ =	swait.ge [sflag:s23], $0x1  }
0xa3: {  	[sflag:s23] =	ssyncset.done $0x0  }
0xa4: {  	s25 =	simm.s32 $0x1B8E;
	s24 =	sld [smem:$0x3FFE];
	[sflag:s23] =	ssyncadd.s32 $0xFFFFFFFF  }
0xa5: {  	s26 =	simm.s32 $execute0_lowered;
	[smem:$0x3FD2] =	sst s25  }
0xa6: {  	s5 =	sshll.u32 s26, $0x1;
	_ =	strace $0x80000046;
	[dreg:$0x1] =	wrdreg $0xFFFFFFFF  }
0xa7: {  	s28 =	simm.s32 $_size_execute0_lowered;
	s3 =	sadd.s32 s3, s5;
	[dreg:$0x0] =	wrdreg $0x0  }
0xa8: {  	s5 =	sshll.u32 s28, $0x1;
	[dreg:$0x2] =	wrdreg s3  }
0xa9: {  	[dreg:$0x3] =	wrdreg s5  }
0xaa: {  	[dreg:$0x4] =	wrdreg $0xC0  }
0xab: {  	_ =	task [dreg:s7], $0x5FFFF  }
0xac: {  	[dreg:$0x1] =	wrdreg $0xFFFFFFFF  }
0xad: {  	[dreg:$0x0] =	wrdreg $0x60  }
0xae: {  	[dreg:$0x2] =	wrdreg s24  }
0xaf: {  	[dreg:$0x3] =	wrdreg s2  }
0xb0: {  	[dreg:$0x4] =	wrdreg $0x9  }
0xb1: {  	_ =	task.clear_ibuf [dreg:s7], $0x5FFFF;
	_ =	strace $0x90000046  }
0xb2: {  	s29 =	simm.s32 $0x9;
	_ =	strace $0x80000048  }
0xb3: {  	_ =	swait.ge [sflag:s29], $0x1  }
0xb4: {  	[sflag:s29] =	ssyncadd.s32 $0xFFFFFFFF  }
0xb5: {  	_ =	strace $0x90000048  }
0xb6: {  	_ =	sfence  }
0xb7: {  	s30 =	sld [smem:$0x0];
	_ =	sdelay $0x2  }
0xb8: {  	s31 =	sshll.u32 s1, $0xD;
	s1 =	sshrl.u32 s1, $0x2  }
0xb9: {  	s3 =	sand.u32 $0x4000, s31;
	s1 =	sadd.s32 s1, s30  }
0xba: {  	s0 =	sor.u32 s3, s0;
	s1 =	sshll.u32 s1, $0x11  }
0xbb: {  	s0 =	sor.u32 s1, s0  }
0xbc: {  	s0 =	sadd.s32 $0x8F2B, s0  }
0xbd: {  	[sflag:s0] =	ssyncadd.remote.s32 $0x1  }
0xbe: {  	_ =	sfence.sel $0xFFFF  }
0xbf: {  	[dreg:$0x0] =	wrdreg $0xFFFFFFFF;
	(pc) =	sbr.abs _section_cstart, $3  }
0xc0: {  	[dreg:$0x1] =	wrdreg $0xFFFFFFFF  }
0xc1: {  	_ =	task.clear_ibuf [dreg:s7], $0x2FFFF;
	_ =	strace $0x9FFFFFFF  }
0xc2: {  	(tm) =	ssettm $0x7FFFFFFF  }
0xc3: {  	_ =	shalt  }
tec
execute0_lowered:
.L_overlay_start_1:
0x0: {  	(tag) =	ssettag $0x1  }
0x1: {  	s3 =	rddreg [dreg:$0x0];
	s1 =	srdreg.scid  }
0x2: {  	s0 =	stileid.u32;
	s4 =	rddreg [dreg:$0x1]  }
0x3: {  	s8 =	simm.s32 $0x0;
	s5 =	sand.u32 $0x1, s1;
	s2 =	sshll.u32 s0, $0x1  }
0x4: {  	s6 =	sor.u32 s5, s2;
	s2 =	simm.s32 $0x0;
	s5 =	ssub.s32 $0x2, s5  }
0x5: {  	s6 =	smul.u32 $0x4E2, s6;
	[smem:$0x7FF] =	sst s2;
	s7 =	sshrl.u32 s5, $0x1  }
0x6: {  	s1 =	rddreg [dreg:$0x2];
	_ =	strace $0x80000047;
	s5 =	ssub.s32 s5, s7  }
0x7: {  	s7 =	simm.s32 $0x2780;
	s3 =	sadd.s32 s6, s3;
	s4 =	sadd.s32 s4, s6  }
0x8: {  	v0 =	vimm.f32 $0.0e+00;
	v1 =	vimm.f32 $1.000000000e+00;
	s5 =	smax.u32 s5, $0x1;
	s6 =	simm.s32 $0x1;
	s3 =	sadd.s32 $0xB800, s3  }
.LBB2_1:
0x9: {  	s9 =	simm.s32 $0x40;
	s10 =	simm.s32 $0x0  }
.LBB2_2:
0xa: {  	p0 =	sne.s32 s9, $0x9C00;
	[tilespmem:s10+$0x2780] =	vst v0;
	s10 =	smov.u32 s9;
	s9 =	sadd.s32 $0x40, s9  }
.Ltmp0:
0xb: {  	(pc) =	sbr.rel @p0 .LBB2_2-.Ltmp0, $2  }
0xc: {  	_ =	sdelay $0x2  }
0xd: {  	s10 =	sshra.s32 s10, $0x2  }
0xe: {  	[tilespmem:s10+$0x2780] =	vst v0;
	s9 =	simm.s32 $0x0  }
0xf: {  	[tilespmem:s9], [sflag:$0x1] =	stream.linear.gather [hbm4b:s3+s9], $0x2710, $0x38;
	[tilespmem:$0x4F00] =	vst v63  }
0x10: {  	_ =	swait.ge [sflag:s6], $0x2710  }
0x11: {  	[sflag:s6] =	ssyncset.done $0x0  }
0x12: {  	s10 =	simm.s32 $0x0;
	s9 =	simm.s32 $0x40;
	[sflag:s6] =	ssyncadd.s32 $0xFFFFD8F0  }
.LBB2_4:
0x13: {  	p0 =	sne.s32 s9, $0x9C00;
	v2 =	vld [tilespmem:s10+$0x0];
	_ =	sdelay $0x3  }
.Ltmp1:
0x14: {  	(pc) =	sbr.rel @p0 .LBB2_4-.Ltmp1, $2  }
0x15: {  	_ =	sdelay $0x2  }
0x16: {  	s10 =	sshra.s32 s9, $0x2;
	s9 =	sadd.s32 $0x40, s9;
	[tilespmem:v2+s7+$0x0] =	vst.idx.add.f32.msk $0xffff, v1  }
0x17: {  	v2 =	vld [tilespmem:s10+$0x0];
	_ =	sdelay $0x5  }
0x18: {  	s8 =	sadd.s32 $0x1, s8  }
0x19: {  	p0 =	sne.s32 s8, s5  }
.Ltmp2:
0x1a: {  	[tilespmem:v2+s7+$0x0] =	vst.idx.add.f32.msk $0xffff, v1;
	(pc) =	sbr.rel @p0 .LBB2_1-.Ltmp2, $4  }
0x1b: {  	[hbm4b:s4+s2] =	stream.linear.scatter [tilespmem:s7], [sflag:$0x1], $0x2710, $0x38;
	[tilespmem:$0x4F00] =	vst v63  }
0x1c: {  	_ =	swait.ge [sflag:s6], $0x2710  }
0x1d: {  	[sflag:s6] =	ssyncset.done $0x0  }
0x1e: {  	[sflag:s6] =	ssyncadd.s32 $0xFFFFD8F0  }
0x1f: {  	_ =	sfence.sel $0x180000  }
0x20: {  	[bflag:$0x0] =	sbarrier.arrive $0xFFFF  }
0x21: {  	p0 =	sne.s32 s0, $0x0;
	_ =	strace $0x90000047  }
0x22: {  	s0 =	sadd.s32 @!p0 $0x100000, s1;
	[bflag:$0x2] =	sbarrier.arrive $0xFFFF  }
0x23: {  	[sflag:s0] =	ssyncadd.tile.s32 @!p0 $0x1;
	_ =	shalt  }
.Lfunc_end2:
_tile_overlayer_lowered:
.L_overlay_start_2:
0x24: {  	(tag) =	ssettag $0x2  }
0x25: {  	s0 =	rddreg [dreg:$0x0];
	s2 =	stileid.u32  }
0x26: {  	s1 =	rddreg [dreg:$0x1];
	p0 =	sne.s32 s2, $0x0  }
0x27: {  	s3 =	rddreg [dreg:$0x2];
	[bflag:$0x3] =	sbarrier.arrive $0xFFFF;
	s2 =	simm.s32 @!p0 $0x1C01  }
0x28: {  	[timem:s3], [sflag:s2] =	dma.local @!p0 [hbm:s0], s1  }
0x29: {  	s0 =	simm.s32 @!p0 $0x1  }
0x2a: {  	_ =	swait.ge @!p0 [sflag:s0], s1  }
0x2b: {  	s1 =	ssub.s32 @!p0 $0x0, s1;
	[sflag:s0] =	ssyncset.done @!p0 $0x0  }
0x2c: {  	[sflag:s0] =	ssyncadd.s32 @!p0 s1  }
0x2d: {  	[bflag:$0x3] =	sbarrier.arrive $0xFFFF  }
0x2e: {  	_ =	shalt  }

// kernel: kernel.9.cloned.1.call-start
scs
__scs_entry_jumppad:
0x0: {  	(pc) =	sbr.rel $0x88, $3  }
0x1: {  	(tag) =	ssettag $0x0;
	lr =	simm.s32 $0x1  }
0x2: {  	[smem:$0x3F9D] =	sst lr;
	_ =	strace $0xD0000000  }
0x3: {  	_ = 	snop  }
0x4: {  	_ = 	snop  }
0x5: {  	_ = 	snop  }
0x6: {  	_ = 	snop  }
0x7: {  	_ = 	snop  }
__scs_overlays_trampoline_lowered:
0x8: {  	[smem:$0x3FAC] =	sst s0  }
0x9: {  	[smem:$0x3FAD] =	sst s1  }
0xa: {  	[smem:$0x3FAE] =	sst s2  }
0xb: {  	[smem:$0x3FAF] =	sst s3  }
0xc: {  	[smem:$0x3FB0] =	sst s4  }
0xd: {  	[smem:$0x3FB1] =	sst s5  }
0xe: {  	[smem:$0x3FB2] =	sst s6  }
0xf: {  	[smem:$0x3FB3] =	sst s7  }
0x10: {  	[smem:$0x3FB4] =	sst s8  }
0x11: {  	[smem:$0x3FB5] =	sst s9;
	s0 =	simm.s32 @!p0 $0x0  }
0x12: {  	s1 =	sld [smem:$0x3F9B];
	s0 =	simm.s32 @p0 $0x1  }
0x13: {  	[smem:$0x3FB6] =	sst s0;
	s0 =	simm.s32 @!p1 $0x0  }
0x14: {  	s2 =	sld [smem:$0x3F9A];
	s0 =	simm.s32 @p1 $0x1  }
0x15: {  	[smem:$0x3FB7] =	sst s0;
	s0 =	simm.s32 @!p2 $0x0  }
0x16: {  	s3 =	sld [smem:$0x3FDB];
	s0 =	simm.s32 @p2 $0x1  }
0x17: {  	s4 =	simm.s32 $0x1BF5;
	[smem:$0x3FB9] =	sst s0  }
0x18: {  	s0 =	sld [smem:$0x3F9C];
	_ =	swait.ge [sflag:s4], $0x0  }
0x19: {  	s7 =	sld [smem:$0x3F9D]  }
0x1a: {  	s8 =	sadd.s32 $0xFFFFE003, lr  }
0x1b: {  	s9 =	sadd.s32 $0xFFFFFEF7, lr;
	s5 =	simm.s32 $0xFFFFFFFF;
	p2 =	slt.u32 s8, $0xFFFFF086  }
0x1c: {  	p1 =	slt.u32 s9, $0xF7A;
	s5 =	simm.s32 @!p2 $0x0  }
0x1d: {  	s5 =	simm.s32 @p1 $0x1;
	p0 =	seq.s32 s7, s2  }
0x1e: {  	s7 =	smul.u32 @!p0 $0xF7A, s2;
	p2 =	seq.s32 @!p0 s5, $0x0  }
0x1f: {  	s9 =	smul.u32 $0xF7A, s1;
	s8 =	simm.s32 @!p0 $0x1BF5;
	p2 =	por !p2, p0  }
0x20: {  	[sflag:s8] =	ssyncset.s32 @!p0 $0xFFFFF086;
	s6 =	sadd.s32 @!p0 s3, s7;
	s7 =	simm.s32 @!p0 $0x108  }
0x21: {  	s3 =	sadd.s32 s3, s9;
	s6 =	sadd.s32 @!p0 $0x88, s6;
	s7 =	simm.s32 @p2 $0x1082  }
0x22: {  	[simem:s7], [sflag:s8] =	dma.local @!p0 [hbm:s6], $0xF7A  }
0x23: {  	s9 =	sor.u32 $0xD0000000, s2;
	s6 =	simm.s32 $0x108;
	_ =	swait.ge @!p0 [sflag:s8], $0x0  }
0x24: {  	s3 =	sadd.s32 $0x88, s3;
	s6 =	simm.s32 @!p1 $0x1082;
	[sflag:s4] =	ssyncset.s32 $0xFFFFF086  }
0x25: {  	[simem:s6], [sflag:s4] =	dma.local [hbm:s3], $0xF7A  }
0x26: {  	[smem:$0x3F9D] =	sst s1;
	(tag) =	ssettag s2;
	_ =	strace s9  }
0x27: {  	s1 =	sld [smem:$0x3FAD]  }
0x28: {  	s2 =	sld [smem:$0x3FAE]  }
0x29: {  	s4 =	sld [smem:$0x3FB0]  }
0x2a: {  	p0 =	seq.s32 s5, $0x0;
	s5 =	sld [smem:$0x3FB1]  }
0x2b: {  	s6 =	sld [smem:$0x3FB2]  }
0x2c: {  	s7 =	sld [smem:$0x3FB3]  }
0x2d: {  	s3 =	simm.s32 $0x108;
	s8 =	sld [smem:$0x3FB4]  }
0x2e: {  	s3 =	simm.s32 @!p0 $0x1082;
	s9 =	sld [smem:$0x3FB5]  }
0x2f: {  	lr =	sadd.s32 s0, s3;
	s0 =	sld [smem:$0x3FAC]  }
0x30: {  	s3 =	sld [smem:$0x3FAF]  }
0x31: {  	[smem:$0x3FB8] =	sst s10  }
0x32: {  	s10 =	sld [smem:$0x3FB6];
	_ =	sdelay $0x3  }
0x33: {  	p0 =	seq.s32 s10, $0x1;
	s10 =	sld [smem:$0x3FB8];
	_ =	sdelay $0x3  }
0x34: {  	[smem:$0x3FB8] =	sst s10  }
0x35: {  	s10 =	sld [smem:$0x3FB7];
	_ =	sdelay $0x3  }
0x36: {  	p1 =	seq.s32 s10, $0x1;
	s10 =	sld [smem:$0x3FB8];
	_ =	sdelay $0x3  }
0x37: {  	[smem:$0x3FB8] =	sst s10  }
0x38: {  	s10 =	sld [smem:$0x3FB9]  }
0x39: {  	_ = 	snop;
	(pc) =	sbr.ind lr, $3  }
0x3a: {  	_ = 	snop  }
0x3b: {  	_ = 	snop  }
0x3c: {  	p2 =	seq.s32 s10, $0x1;
	s10 =	sld [smem:$0x3FB8]  }
0x3d: {  	_ =	shalt  }
0x3e: {  	_ =	shalt  }
0x3f: {  	_ =	shalt  }
0x40: {  	_ =	shalt  }
0x41: {  	_ =	shalt  }
0x42: {  	_ =	shalt  }
0x43: {  	_ =	shalt  }
0x44: {  	_ =	shalt  }
0x45: {  	_ =	shalt  }
0x46: {  	_ =	shalt  }
0x47: {  	_ =	shalt  }
0x48: {  	_ =	shalt  }
0x49: {  	_ =	shalt  }
0x4a: {  	_ =	shalt  }
0x4b: {  	_ =	shalt  }
0x4c: {  	_ =	shalt  }
0x4d: {  	_ =	shalt  }
0x4e: {  	_ =	shalt  }
0x4f: {  	_ =	shalt  }
0x50: {  	_ =	shalt  }
0x51: {  	_ =	shalt  }
0x52: {  	_ =	shalt  }
0x53: {  	_ =	shalt  }
0x54: {  	_ =	shalt  }
0x55: {  	_ =	shalt  }
0x56: {  	_ =	shalt  }
0x57: {  	_ =	shalt  }
0x58: {  	_ =	shalt  }
0x59: {  	_ =	shalt  }
0x5a: {  	_ =	shalt  }
0x5b: {  	_ =	shalt  }
0x5c: {  	_ =	shalt  }
0x5d: {  	_ =	shalt  }
0x5e: {  	_ =	shalt  }
0x5f: {  	_ =	shalt  }
0x60: {  	_ =	shalt  }
0x61: {  	_ =	shalt  }
0x62: {  	_ =	shalt  }
0x63: {  	_ =	shalt  }
0x64: {  	_ =	shalt  }
0x65: {  	_ =	shalt  }
0x66: {  	_ =	shalt  }
0x67: {  	_ =	shalt  }
0x68: {  	_ =	shalt  }
0x69: {  	_ =	shalt  }
0x6a: {  	_ =	shalt  }
0x6b: {  	_ =	shalt  }
0x6c: {  	_ =	shalt  }
0x6d: {  	_ =	shalt  }
0x6e: {  	_ =	shalt  }
0x6f: {  	_ =	shalt  }
0x70: {  	_ =	shalt  }
0x71: {  	_ =	shalt  }
0x72: {  	_ =	shalt  }
0x73: {  	_ =	shalt  }
0x74: {  	_ =	shalt  }
0x75: {  	_ =	shalt  }
0x76: {  	_ =	shalt  }
0x77: {  	_ =	shalt  }
0x78: {  	_ =	shalt  }
0x79: {  	_ =	shalt  }
0x7a: {  	_ =	shalt  }
0x7b: {  	_ =	shalt  }
0x7c: {  	_ =	shalt  }
0x7d: {  	_ =	shalt  }
0x7e: {  	_ =	shalt  }
0x7f: {  	_ =	shalt  }
0x80: {  	_ =	shalt  }
0x81: {  	_ =	shalt  }
0x82: {  	_ =	shalt  }
0x83: {  	_ =	shalt  }
0x84: {  	_ =	shalt  }
0x85: {  	_ =	shalt  }
0x86: {  	_ =	shalt  }
0x87: {  	_ =	shalt  }
.Lfunc_end0:
.L_simem_size_0:
called_computation.1_lowered:
.L_overlay_start_0:
0x88: {  	s2 =	sld [smem:$0x3FD9]  }
0x89: {  	s3 =	sld [smem:$0x3FFE];
	_ =	sdelay $0x1  }
0x8a: {  	s1 =	srdreg.scid  }
0x8b: {  	s0 =	sand.u32 $0x1, s1  }
0x8c: {  	s17 =	sshll.u32 s0, $0xA;
	s2 =	sadd.s32 s3, s2  }
0x8d: {  	s2 =	sadd.s32 s2, s17  }
0x8e: {  	[smem:$0x3FC4] =	sst s2  }
0x8f: {  	_ = 	snop  }
0x90: {  	s2 =	sld [smem:$0x3FD0];
	(tm) =	ssettm $0x1  }
0x91: {  	s18 =	sld [smem:$0x3FFB];
	_ =	sdelay $0x3  }
0x92: {  	_ =	strace s18  }
0x93: {  	s3 =	sld [smem:$0x3FFC];
	_ =	sdelay $0x3  }
0x94: {  	_ =	strace s3  }
0x95: {  	s3 =	sld [smem:$0x3FFD];
	_ =	sdelay $0x3  }
0x96: {  	_ =	strace s3  }
0x97: {  	_ =	strace $0x8FFFFFFF  }
0x98: {  	s19 =	sld [smem:$0x3FDB];
	_ =	sdelay $0x1  }
0x99: {  	s4 =	simm.s32 $_scs_section_size  }
0x9a: {  	s5 =	simm.s32 $_size__tile_overlayer_lowered;
	s6 =	simm.s32 $_tile_overlayer_lowered  }
0x9b: {  	s22 =	simm.s32 $0x1BFF;
	s21 =	sshll.u32 s6, $0x1;
	s3 =	sadd.s32 s4, s19  }
0x9c: {  	s7 =	simm.s32 $0x0;
	s20 =	sshll.u32 s5, $0x1;
	s5 =	sadd.s32 s21, s3  }
0x9d: {  	[timem:s7], [sflag:s22] =	dma.local [hbm:s5], s20  }
0x9e: {  	_ =	swait.ge [sflag:s22], s20  }
0x9f: {  	s4 =	ssub.s32 $0x0, s20;
	[sflag:s22] =	ssyncset.done $0x0  }
0xa0: {  	[sflag:s22] =	ssyncadd.s32 s4;
	_ =	sdelay $0x1  }
0xa1: {  	s23 =	simm.s32 $0x1B8B  }
0xa2: {  	_ =	swait.ge [sflag:s23], $0x1  }
0xa3: {  	[sflag:s23] =	ssyncset.done $0x0  }
0xa4: {  	s25 =	simm.s32 $0x1B8E;
	s24 =	sld [smem:$0x3FFE];
	[sflag:s23] =	ssyncadd.s32 $0xFFFFFFFF  }
0xa5: {  	s26 =	simm.s32 $execute0_lowered;
	[smem:$0x3FD2] =	sst s25  }
0xa6: {  	s5 =	sshll.u32 s26, $0x1;
	_ =	strace $0x80000049;
	[dreg:$0x1] =	wrdreg $0xFFFFFFFF  }
0xa7: {  	s28 =	simm.s32 $_size_execute0_lowered;
	s3 =	sadd.s32 s3, s5;
	[dreg:$0x0] =	wrdreg $0x0  }
0xa8: {  	s5 =	sshll.u32 s28, $0x1;
	[dreg:$0x2] =	wrdreg s3  }
0xa9: {  	[dreg:$0x3] =	wrdreg s5  }
0xaa: {  	[dreg:$0x4] =	wrdreg $0xC0  }
0xab: {  	_ =	task [dreg:s7], $0x5FFFF  }
0xac: {  	[dreg:$0x1] =	wrdreg $0xFFFFFFFF  }
0xad: {  	[dreg:$0x0] =	wrdreg $0x60  }
0xae: {  	[dreg:$0x2] =	wrdreg s2  }
0xaf: {  	[dreg:$0x3] =	wrdreg s24  }
0xb0: {  	[dreg:$0x4] =	wrdreg $0x83000  }
0xb1: {  	[dreg:$0x5] =	wrdreg $0x9  }
0xb2: {  	_ =	task.clear_ibuf [dreg:s7], $0x6FFFF;
	_ =	strace $0x90000049  }
0xb3: {  	s29 =	simm.s32 $0x9;
	_ =	strace $0x8000004B  }
0xb4: {  	_ =	swait.ge [sflag:s29], $0x1  }
0xb5: {  	[sflag:s29] =	ssyncadd.s32 $0xFFFFFFFF  }
0xb6: {  	_ =	strace $0x9000004B  }
0xb7: {  	_ =	sfence  }
0xb8: {  	s30 =	sld [smem:$0x0];
	_ =	sdelay $0x2  }
0xb9: {  	s31 =	sshll.u32 s1, $0xD;
	s1 =	sshrl.u32 s1, $0x2  }
0xba: {  	s3 =	sand.u32 $0x4000, s31;
	s1 =	sadd.s32 s1, s30  }
0xbb: {  	s0 =	sor.u32 s3, s0;
	s1 =	sshll.u32 s1, $0x11  }
0xbc: {  	s0 =	sor.u32 s1, s0  }
0xbd: {  	s0 =	sadd.s32 $0x8F2B, s0  }
0xbe: {  	[sflag:s0] =	ssyncadd.remote.s32 $0x1  }
0xbf: {  	_ =	sfence.sel $0xFFFF  }
0xc0: {  	[dreg:$0x0] =	wrdreg $0xFFFFFFFF;
	(pc) =	sbr.abs _section_cstart, $3  }
0xc1: {  	[dreg:$0x1] =	wrdreg $0xFFFFFFFF  }
0xc2: {  	_ =	task.clear_ibuf [dreg:s7], $0x2FFFF;
	_ =	strace $0x9FFFFFFF  }
0xc3: {  	(tm) =	ssettm $0x7FFFFFFF  }
tec
execute0_lowered:
.L_overlay_start_1:
0x0: {  	(tag) =	ssettag $0x1  }
0x1: {  	s1 =	rddreg [dreg:$0x0]  }
0x2: {  	s0 =	rddreg [dreg:$0x1]  }
0x3: {  	s3 =	rddreg [dreg:$0x2];
	s2 =	srdreg.scid  }
0x4: {  	s13 =	stileid.u32;
	s4 =	simm.s32 $0x0;
	s30 =	simm.s32 $0x300  }
0x5: {  	s31 =	simm.s32 $0x5;
	s2 =	sand.u32 $0x1, s2;
	s5 =	sshll.u32 s13, $0x1  }
0x6: {  	[smem:$0x7FF] =	sst s4;
	s6 =	sadd.s32 $0xB800, s0;
	s19 =	sshll.u32 s13, $0xE  }
0x7: {  	s20 =	sor.u32 $0x10, s13;
	s22 =	sor.u32 $0x20, s13;
	s24 =	smul.u32 $0x4E20, s13  }
0x8: {  	s25 =	sor.u32 $0x30, s13;
	s29 =	sadd.s32 $0x138000, s3;
	s7 =	smul.u32 $0x27100, s2  }
0x9: {  	s5 =	sor.u32 s2, s5;
	_ =	strace $0x8000004A;
	s8 =	ssub.s32 $0x2, s2  }
0xa: {  	s21 =	sshll.u32 s20, $0xE;
	s23 =	sshll.u32 s22, $0xE;
	s2 =	smul.u32 $0x2710, s2  }
0xb: {  	s26 =	sshll.u32 s25, $0xE;
	s9 =	smul.u32 $0x2710, s5;
	s10 =	sshrl.u32 s8, $0x1  }
0xc: {  	s5 =	sadd.s32 $0x1A00, s0;
	s0 =	sadd.s32 s7, s0;
	s11 =	ssub.s32 s8, s10  }
0xd: {  	s2 =	sadd.s32 s2, s24;
	s7 =	simm.s32 $0x180;
	s12 =	sshrl.u32 s9, $0x3  }
0xe: {  	s18 =	smax.u32 s11, $0x1;
	s11 =	sor.u32 $0x40, s13;
	s28 =	sadd.s32 $0x100, s2  }
0xf: {  	s9 =	sadd.s32 s5, s12;
	s14 =	sadd.s32 s6, s12;
	s15 =	sadd.s32 $0x10, s12  }
0x10: {  	s8 =	sadd.s32 $0x4E0, s12;
	[dreg:$0xb] =	wrdreg s18;
	s12 =	sshll.u32 s11, $0xE  }
0x11: {  	s18 =	sadd.s32 s26, s3;
	p0 =	sgt.u32 s11, $0x4D;
	[dreg:$0x4] =	wrdreg s9  }
0x12: {  	s10 =	sshll.u32 s11, $0xB;
	s11 =	simm.s32 $0x3;
	[dreg:$0x5] =	wrdreg s14  }
0x13: {  	s16 =	sadd.s32 s5, s15;
	s9 =	sadd.s32 s6, s15;
	s17 =	sadd.s32 s5, s8  }
0x14: {  	s8 =	sadd.s32 s6, s8;
	s14 =	sadd.s32 $0x15600, s0;
	[dreg:$0x6] =	wrdreg s16  }
0x15: {  	s15 =	sadd.s32 s19, s3;
	s19 =	sadd.s32 s12, s3;
	[dreg:$0x7] =	wrdreg s9  }
0x16: {  	s12 =	sshll.u32 s22, $0xB;
	s22 =	sshll.u32 s25, $0xB;
	[dreg:$0x8] =	wrdreg s17  }
0x17: {  	p1 =	sne.s32 @p0 s13, $0xF;
	[dreg:$0x9] =	wrdreg s8;
	s16 =	sadd.s32 s21, s3  }
0x18: {  	s17 =	sadd.s32 s23, s3;
	s9 =	sshll.u32 s20, $0xB;
	s21 =	sadd.s32 $0x180, s2  }
0x19: {  	s23 =	sshll.u32 s13, $0xB;
	p1 =	por p1, !p0;
	s25 =	sadd.s32 s12, s14  }
0x1a: {  	s26 =	sadd.s32 s22, s14;
	[dreg:$0xa] =	wrdreg s14;
	s2 =	simm.s32 $0x100  }
0x1b: {  	s12 =	simm.s32 $0x4;
	s8 =	sshrl.u32 s21, $0x3;
	[dreg:$0xe] =	wrdreg s25  }
0x1c: {  	s0 =	sadd.s32 s23, s14;
	s24 =	sadd.s32 s9, s14;
	[dreg:$0xf] =	wrdreg s26  }
0x1d: {  	s9 =	simm.s32 $0x1;
	s25 =	simm.s32 $0x0;
	[dreg:$0xc] =	wrdreg s0  }
0x1e: {  	s20 =	sadd.s32 s8, s6;
	s21 =	sadd.s32 s8, s5;
	[dreg:$0xd] =	wrdreg s24  }
0x1f: {  	s0 =	sadd.s32 @!p0 s10, s14;
	s8 =	simm.s32 $0x4300;
	s10 =	simm.s32 $0x2  }
0x20: {  	v0 =	vimm.f32 $0.0e+00;
	s24 =	simm.s32 $0x10;
	[dreg:$0x10] =	wrdreg s0;
	s0 =	simm.s32 $0x80  }
.LBB2_1:
0x21: {  	s14 =	sand.u32 $0xFE00, s4  }
0x22: {  	s26 =	sand.u32 $0x70, s4;
	s14 =	sshrl.u32 s14, $0x2  }
0x23: {  	s22 =	simm.s32 $0x40;
	s14 =	sor.u32 s26, s14;
	s26 =	simm.s32 $0x0  }
.LBB2_2:
0x24: {  	p2 =	sne.s32 s22, $0xFFC0  }
0x25: {  	[tilespmem:s14+$0x300] =	vst v0;
	s26 =	sadd.s32 $0x10, s26;
	s14 =	smov.u32 s22;
	s22 =	sadd.s32 $0x40, s22  }
.Ltmp0:
0x26: {  	(pc) =	sbr.rel @p2 .LBB2_2-.Ltmp0, $4  }
0x27: {  	_ = 	snop  }
0x28: {  	s14 =	sand.u32 $0xFE00, s14  }
0x29: {  	s13 =	sand.u32 $0x70, s26;
	s14 =	sshrl.u32 s14, $0x2  }
0x2a: {  	s14 =	sor.u32 s13, s14  }
0x2b: {  	[tilespmem:s14+$0x300] =	vst v0  }
0x2c: {  	[spmem:s15] =	stream.linear.scatter [tilespmem:s30], [sflag:$0x5], $0x4000, $0x38;
	[tilespmem:$0x1BB80] =	vst v63  }
0x2d: {  	_ =	swait.ge [sflag:s31], $0x4000  }
0x2e: {  	[sflag:s31] =	ssyncset.done $0x0  }
0x2f: {  	[sflag:s31] =	ssyncadd.s32 $0xFFFFC000  }
0x30: {  	[spmem:s16] =	stream.linear.scatter [tilespmem:s30], [sflag:$0x5], $0x4000, $0x38;
	[tilespmem:$0x1BB80] =	vst v63  }
0x31: {  	_ =	swait.ge [sflag:s31], $0x4000  }
0x32: {  	[sflag:s31] =	ssyncset.done $0x0  }
0x33: {  	[sflag:s31] =	ssyncadd.s32 $0xFFFFC000  }
0x34: {  	[spmem:s17] =	stream.linear.scatter [tilespmem:s30], [sflag:$0x5], $0x4000, $0x38;
	[tilespmem:$0x1BB80] =	vst v63  }
0x35: {  	_ =	swait.ge [sflag:s31], $0x4000  }
0x36: {  	[sflag:s31] =	ssyncset.done $0x0  }
0x37: {  	[sflag:s31] =	ssyncadd.s32 $0xFFFFC000  }
0x38: {  	[spmem:s18] =	stream.linear.scatter [tilespmem:s30], [sflag:$0x5], $0x4000, $0x38;
	[tilespmem:$0x1BB80] =	vst v63  }
0x39: {  	_ =	swait.ge [sflag:s31], $0x4000  }
0x3a: {  	[sflag:s31] =	ssyncset.done $0x0  }
0x3b: {  	s13 =	simm.s32 @!p1 $0x300;
	[sflag:s31] =	ssyncadd.s32 $0xFFFFC000  }
0x3c: {  	[spmem:s29] =	stream.linear.scatter @!p1 [tilespmem:s13], [sflag:$0x5], $0x800, $0x38;
	[tilespmem:$0x1BB80] =	vst v63  }
0x3d: {  	s13 =	simm.s32 @!p1 $0x5  }
0x3e: {  	_ =	swait.ge @!p1 [sflag:s13], $0x800  }
0x3f: {  	[sflag:s13] =	ssyncset.done @!p1 $0x0  }
0x40: {  	[sflag:s13] =	ssyncadd.s32 @!p1 $0xFFFFF800;
	s13 =	simm.s32 @!p0 $0x300  }
0x41: {  	[spmem:s19] =	stream.linear.scatter @!p0 [tilespmem:s13], [sflag:$0x5], $0x4000, $0x38;
	[tilespmem:$0x1BB80] =	vst v63  }
0x42: {  	s13 =	simm.s32 @!p0 $0x5  }
0x43: {  	_ =	swait.ge @!p0 [sflag:s13], $0x4000  }
0x44: {  	[sflag:s13] =	ssyncset.done @!p0 $0x0  }
0x45: {  	[sflag:s13] =	ssyncadd.s32 @!p0 $0xFFFFC000  }
0x46: {  	[bflag:$0x0] =	sbarrier.arrive $0xFFFF  }
0x47: {  	s13 =	simm.s32 $0x0;
	s23 =	rddreg [dreg:$0x4]  }
0x48: {  	[tilespmem:s13], [sflag:$0x5] =	stream.linear.gather [hbm4b:s23+s13], $0x80, $0x38;
	[tilespmem:$0x1BB80] =	vst v63  }
0x49: {  	_ =	swait.ge [sflag:s31], $0x80  }
0x4a: {  	[sflag:s31] =	ssyncset.done $0x0  }
0x4b: {  	s26 =	rddreg [dreg:$0x5];
	[sflag:s31] =	ssyncadd.s32 $0xFFFFFF80  }
0x4c: {  	[tilespmem:s0], [sflag:$0x5] =	stream.linear.gather [hbm4b:s26+s13], $0x80, $0x38;
	[tilespmem:$0x1BB80] =	vst v63  }
0x4d: {  	_ =	swait.ge [sflag:s31], $0x80  }
0x4e: {  	[sflag:s31] =	ssyncset.done $0x0  }
0x4f: {  	[sflag:s31] =	ssyncadd.s32 $0xFFFFFF80  }
0x50: {  	[tilespmem:s30], [sflag:$0x1] =	stream.indirect.gather [hbm4b:s1+s0], $0x80, s13, s0, $0xb8;
	[tilespmem:$0x1BB80] =	vst v63  }
0x51: {  	s22 =	rddreg [dreg:$0x6]  }
0x52: {  	[tilespmem:s2], [sflag:$0x5] =	stream.linear.gather [hbm4b:s22+s13], $0x80, $0x38;
	[tilespmem:$0x1BB80] =	vst v63  }
0x53: {  	_ =	swait.ge [sflag:s31], $0x80  }
0x54: {  	[sflag:s31] =	ssyncset.done $0x0  }
0x55: {  	s23 =	rddreg [dreg:$0x7];
	[sflag:s31] =	ssyncadd.s32 $0xFFFFFF80  }
0x56: {  	[tilespmem:s7], [sflag:$0x5] =	stream.linear.gather [hbm4b:s23+s13], $0x80, $0x38;
	[tilespmem:$0x1BB80] =	vst v63  }
0x57: {  	_ =	swait.ge [sflag:s31], $0x80  }
0x58: {  	[sflag:s31] =	ssyncset.done $0x0  }
0x59: {  	[sflag:s31] =	ssyncadd.s32 $0xFFFFFF80  }
0x5a: {  	[tilespmem:s8], [sflag:$0x2] =	stream.indirect.gather [hbm4b:s1+s0], $0x80, s2, s0, $0xb8;
	[tilespmem:$0x1BB80] =	vst v63  }
0x5b: {  	_ =	swait.ge [sflag:s9], $0x4000  }
0x5c: {  	[sflag:s9] =	ssyncset.done $0x0  }
0x5d: {  	[sflag:s9] =	ssyncadd.s32 $0xFFFFC000  }
0x5e: {  	[spmem:s3] =	stream.indirect.scatter.add.f32 [tilespmem:s30], [sflag:$0x5], $0x80, s0, s0, $0xb8;
	[tilespmem:$0x1BB80] =	vst v63  }
0x5f: {  	_ =	swait.ge [sflag:s31], $0x4000  }
0x60: {  	s26 =	sshrl.u32 s28, $0x3;
	[sflag:s31] =	ssyncset.done $0x0  }
0x61: {  	s22 =	sadd.s32 s5, s26;
	[sflag:s31] =	ssyncadd.s32 $0xFFFFC000  }
0x62: {  	[tilespmem:s4], [sflag:$0x3] =	stream.linear.gather [hbm4b:s22+s4], $0x80, $0x38;
	[tilespmem:$0x1BB80] =	vst v63  }
0x63: {  	s13 =	sadd.s32 s6, s26  }
0x64: {  	[tilespmem:s0], [sflag:$0x3] =	stream.linear.gather [hbm4b:s13+s4], $0x80, $0x38;
	[tilespmem:$0x1BB80] =	vst v63  }
0x65: {  	_ =	swait.ge [sflag:s10], $0x4000  }
0x66: {  	[sflag:s10] =	ssyncset.done $0x0  }
0x67: {  	[sflag:s10] =	ssyncadd.s32 $0xFFFFC000  }
0x68: {  	[spmem:s3] =	stream.indirect.scatter.add.f32 [tilespmem:s8], [sflag:$0x5], $0x80, s7, s0, $0xb8;
	[tilespmem:$0x1BB80] =	vst v63  }
0x69: {  	_ =	swait.ge [sflag:s31], $0x4000  }
0x6a: {  	[sflag:s31] =	ssyncset.done $0x0  }
0x6b: {  	[sflag:s31] =	ssyncadd.s32 $0xFFFFC000  }
0x6c: {  	_ =	swait.ge [sflag:s11], $0x80  }
0x6d: {  	[sflag:s11] =	ssyncset.done $0x0  }
0x6e: {  	[sflag:s11] =	ssyncadd.s32 $0xFFFFFF80  }
0x6f: {  	_ =	swait.ge [sflag:s11], $0x80  }
0x70: {  	[sflag:s11] =	ssyncset.done $0x0  }
0x71: {  	[sflag:s11] =	ssyncadd.s32 $0xFFFFFF80  }
0x72: {  	[tilespmem:s30], [sflag:$0x1] =	stream.indirect.gather [hbm4b:s1+s0], $0x80, s4, s0, $0xb8;
	[tilespmem:$0x1BB80] =	vst v63  }
0x73: {  	s23 =	sadd.s32 $0x0, s21  }
0x74: {  	[tilespmem:s2], [sflag:$0x4] =	stream.linear.gather [hbm4b:s23+s4], $0x80, $0x38;
	[tilespmem:$0x1BB80] =	vst v63  }
0x75: {  	s26 =	sadd.s32 $0x0, s20  }
0x76: {  	[tilespmem:s7], [sflag:$0x4] =	stream.linear.gather [hbm4b:s26+s4], $0x80, $0x38;
	[tilespmem:$0x1BB80] =	vst v63  }
0x77: {  	_ =	swait.ge [sflag:s12], $0x80  }
0x78: {  	[sflag:s12] =	ssyncset.done $0x0  }
0x79: {  	[sflag:s12] =	ssyncadd.s32 $0xFFFFFF80  }
0x7a: {  	_ =	swait.ge [sflag:s12], $0x80  }
0x7b: {  	s22 =	smov.u32 s28;
	s26 =	simm.s32 $0x20;
	[sflag:s12] =	ssyncset.done $0x0  }
.LBB2_4:
0x7c: {  	p2 =	sne.s32 s26, $0x4A0;
	[sflag:s12] =	ssyncadd.s32 $0xFFFFFF80;
	s22 =	sadd.s32 $0x100, s22  }
0x7d: {  	[tilespmem:s8], [sflag:$0x2] =	stream.indirect.gather [hbm4b:s1+s0], $0x80, s2, s0, $0xb8;
	[tilespmem:$0x1BB80] =	vst v63  }
0x7e: {  	s13 =	smov.u32 s26;
	s26 =	sadd.s32 $0x20, s26;
	_ =	swait.ge [sflag:s9], $0x4000  }
0x7f: {  	[sflag:s9] =	ssyncset.done $0x0  }
0x80: {  	[sflag:s9] =	ssyncadd.s32 $0xFFFFC000  }
0x81: {  	[spmem:s3] =	stream.indirect.scatter.add.f32 [tilespmem:s30], [sflag:$0x5], $0x80, s0, s0, $0xb8;
	[tilespmem:$0x1BB80] =	vst v63  }
0x82: {  	_ =	swait.ge [sflag:s31], $0x4000  }
0x83: {  	s14 =	sshrl.u32 s22, $0x3;
	[sflag:s31] =	ssyncset.done $0x0  }
0x84: {  	s23 =	sadd.s32 s5, s14;
	[sflag:s31] =	ssyncadd.s32 $0xFFFFC000  }
0x85: {  	[tilespmem:s4], [sflag:$0x3] =	stream.linear.gather [hbm4b:s23+s4], $0x80, $0x38;
	[tilespmem:$0x1BB80] =	vst v63  }
0x86: {  	s14 =	sadd.s32 s6, s14  }
0x87: {  	[tilespmem:s0], [sflag:$0x3] =	stream.linear.gather [hbm4b:s14+s4], $0x80, $0x38;
	[tilespmem:$0x1BB80] =	vst v63  }
0x88: {  	_ =	swait.ge [sflag:s10], $0x4000  }
0x89: {  	[sflag:s10] =	ssyncset.done $0x0  }
0x8a: {  	[sflag:s10] =	ssyncadd.s32 $0xFFFFC000  }
0x8b: {  	[spmem:s3] =	stream.indirect.scatter.add.f32 [tilespmem:s8], [sflag:$0x5], $0x80, s7, s0, $0xb8;
	[tilespmem:$0x1BB80] =	vst v63  }
0x8c: {  	_ =	swait.ge [sflag:s31], $0x4000  }
0x8d: {  	[sflag:s31] =	ssyncset.done $0x0  }
0x8e: {  	[sflag:s31] =	ssyncadd.s32 $0xFFFFC000  }
0x8f: {  	_ =	swait.ge [sflag:s11], $0x80  }
0x90: {  	[sflag:s11] =	ssyncset.done $0x0  }
0x91: {  	[sflag:s11] =	ssyncadd.s32 $0xFFFFFF80  }
0x92: {  	_ =	swait.ge [sflag:s11], $0x80  }
0x93: {  	[sflag:s11] =	ssyncset.done $0x0  }
0x94: {  	[sflag:s11] =	ssyncadd.s32 $0xFFFFFF80  }
0x95: {  	[tilespmem:s30], [sflag:$0x1] =	stream.indirect.gather [hbm4b:s1+s0], $0x80, s4, s0, $0xb8;
	[tilespmem:$0x1BB80] =	vst v63  }
0x96: {  	s14 =	sadd.s32 s13, s21  }
0x97: {  	[tilespmem:s2], [sflag:$0x4] =	stream.linear.gather [hbm4b:s14+s4], $0x80, $0x38;
	[tilespmem:$0x1BB80] =	vst v63  }
0x98: {  	s13 =	sadd.s32 s13, s20  }
0x99: {  	[tilespmem:s7], [sflag:$0x4] =	stream.linear.gather [hbm4b:s13+s4], $0x80, $0x38;
	[tilespmem:$0x1BB80] =	vst v63  }
.Ltmp1:
0x9a: {  	_ =	swait.ge [sflag:s12], $0x80;
	(pc) =	sbr.rel @p2 .LBB2_4-.Ltmp1, $4  }
0x9b: {  	[sflag:s12] =	ssyncset.done $0x0  }
0x9c: {  	[sflag:s12] =	ssyncadd.s32 $0xFFFFFF80  }
0x9d: {  	_ =	swait.ge [sflag:s12], $0x80  }
0x9e: {  	[sflag:s12] =	ssyncset.done $0x0  }
0x9f: {  	[sflag:s12] =	ssyncadd.s32 $0xFFFFFF80  }
0xa0: {  	[tilespmem:s8], [sflag:$0x2] =	stream.indirect.gather [hbm4b:s1+s0], $0x80, s2, s0, $0xb8;
	[tilespmem:$0x1BB80] =	vst v63  }
0xa1: {  	_ =	swait.ge [sflag:s9], $0x4000  }
0xa2: {  	[sflag:s9] =	ssyncset.done $0x0  }
0xa3: {  	[sflag:s9] =	ssyncadd.s32 $0xFFFFC000  }
0xa4: {  	[spmem:s3] =	stream.indirect.scatter.add.f32 [tilespmem:s30], [sflag:$0x5], $0x80, s0, s0, $0xb8;
	[tilespmem:$0x1BB80] =	vst v63  }
0xa5: {  	_ =	swait.ge [sflag:s31], $0x4000  }
0xa6: {  	[sflag:s31] =	ssyncset.done $0x0  }
0xa7: {  	[sflag:s31] =	ssyncadd.s32 $0xFFFFC000  }
0xa8: {  	_ =	swait.ge [sflag:s10], $0x4000  }
0xa9: {  	[sflag:s10] =	ssyncset.done $0x0  }
0xaa: {  	[sflag:s10] =	ssyncadd.s32 $0xFFFFC000  }
0xab: {  	[spmem:s3] =	stream.indirect.scatter.add.f32 [tilespmem:s8], [sflag:$0x5], $0x80, s7, s0, $0xb8;
	[tilespmem:$0x1BB80] =	vst v63  }
0xac: {  	_ =	swait.ge [sflag:s31], $0x4000  }
0xad: {  	[sflag:s31] =	ssyncset.done $0x0  }
0xae: {  	s14 =	simm.s32 $0x200;
	s13 =	rddreg [dreg:$0x8];
	[sflag:s31] =	ssyncadd.s32 $0xFFFFC000  }
0xaf: {  	[tilespmem:s14], [sflag:$0x5] =	stream.linear.gather [hbm4b:s13+s4], $0x10, $0x38;
	[tilespmem:$0x1BB80] =	vst v63  }
0xb0: {  	_ =	swait.ge [sflag:s31], $0x10  }
0xb1: {  	[sflag:s31] =	ssyncset.done $0x0  }
0xb2: {  	s22 =	simm.s32 $0x280;
	s26 =	rddreg [dreg:$0x9];
	[sflag:s31] =	ssyncadd.s32 $0xFFFFFFF0  }
0xb3: {  	[tilespmem:s22], [sflag:$0x5] =	stream.linear.gather [hbm4b:s26+s4], $0x10, $0x38;
	[tilespmem:$0x1BB80] =	vst v63  }
0xb4: {  	_ =	swait.ge [sflag:s31], $0x10  }
0xb5: {  	[sflag:s31] =	ssyncset.done $0x0  }
0xb6: {  	[sflag:s31] =	ssyncadd.s32 $0xFFFFFFF0  }
0xb7: {  	[tilespmem:s30], [sflag:$0x1] =	stream.indirect.gather [hbm4b:s1+s24], $0x80, s14, s24, $0xb8;
	[tilespmem:$0x1BB80] =	vst v63  }
0xb8: {  	_ =	swait.ge [sflag:s9], $0x800  }
0xb9: {  	[sflag:s9] =	ssyncset.done $0x0  }
0xba: {  	[sflag:s9] =	ssyncadd.s32 $0xFFFFF800  }
0xbb: {  	[spmem:s3] =	stream.indirect.scatter.add.f32 [tilespmem:s30], [sflag:$0x5], $0x80, s22, s24, $0xb8;
	[tilespmem:$0x1BB80] =	vst v63  }
0xbc: {  	_ =	swait.ge [sflag:s31], $0x800  }
0xbd: {  	[sflag:s31] =	ssyncset.done $0x0  }
0xbe: {  	s22 =	stileid.u32;
	[sflag:s31] =	ssyncadd.s32 $0xFFFFF800  }
0xbf: {  	s13 =	sshll.u32 s22, $0x6;
	[bflag:$0x0] =	sbarrier.arrive $0xFFFF  }
0xc0: {  	s23 =	sshrl.u32 s15, $0x3;
	s13 =	sor.u32 $0x1C05, s13;
	s26 =	rddreg [dreg:$0xc]  }
0xc1: {  	[hbm:s26], [sflag:s13] =	dma.local [spmem:s23], $0x800  }
0xc2: {  	_ =	swait.ge [sflag:s31], $0x800  }
0xc3: {  	[sflag:s31] =	ssyncset.done $0x0  }
0xc4: {  	s23 =	sshrl.u32 s16, $0x3;
	s26 =	rddreg [dreg:$0xd];
	[sflag:s31] =	ssyncadd.s32 $0xFFFFF800  }
0xc5: {  	[hbm:s26], [sflag:s13] =	dma.local [spmem:s23], $0x800  }
0xc6: {  	_ =	swait.ge [sflag:s31], $0x800  }
0xc7: {  	[sflag:s31] =	ssyncset.done $0x0  }
0xc8: {  	s23 =	sshrl.u32 s17, $0x3;
	s26 =	rddreg [dreg:$0xe];
	[sflag:s31] =	ssyncadd.s32 $0xFFFFF800  }
0xc9: {  	[hbm:s26], [sflag:s13] =	dma.local [spmem:s23], $0x800  }
0xca: {  	_ =	swait.ge [sflag:s31], $0x800  }
0xcb: {  	[sflag:s31] =	ssyncset.done $0x0  }
0xcc: {  	s22 =	sshrl.u32 s18, $0x3;
	s23 =	rddreg [dreg:$0xf];
	[sflag:s31] =	ssyncadd.s32 $0xFFFFF800  }
0xcd: {  	[hbm:s23], [sflag:s13] =	dma.local [spmem:s22], $0x800  }
0xce: {  	_ =	swait.ge [sflag:s31], $0x800  }
0xcf: {  	s22 =	sshrl.u32 @!p1 s29, $0x3;
	[sflag:s31] =	ssyncset.done $0x0;
	s14 =	rddreg [dreg:$0xa]  }
0xd0: {  	s23 =	simm.s32 @!p1 $0x1FC5;
	[sflag:s31] =	ssyncadd.s32 $0xFFFFF800;
	s14 =	sadd.s32 @!p1 $0x27000, s14  }
0xd1: {  	[hbm:s14], [sflag:s23] =	dma.local @!p1 [spmem:s22], $0x100  }
0xd2: {  	s14 =	simm.s32 @!p1 $0x5  }
0xd3: {  	_ =	swait.ge @!p1 [sflag:s14], $0x100  }
0xd4: {  	[sflag:s14] =	ssyncset.done @!p1 $0x0  }
0xd5: {  	s22 =	rddreg [dreg:$0x10];
	[sflag:s14] =	ssyncadd.s32 @!p1 $0xFFFFFF00;
	s14 =	sshrl.u32 @!p0 s19, $0x3  }
0xd6: {  	[hbm:s22], [sflag:s13] =	dma.local @!p0 [spmem:s14], $0x800  }
0xd7: {  	s13 =	simm.s32 @!p0 $0x5  }
0xd8: {  	_ =	swait.ge @!p0 [sflag:s13], $0x800  }
0xd9: {  	s25 =	sadd.s32 $0x1, s25;
	s26 =	rddreg [dreg:$0xb]  }
0xda: {  	p2 =	sne.s32 s25, s26  }
.Ltmp2:
0xdb: {  	_ = 	snop;
	(pc) =	sbr.rel @p2 .LBB2_1-.Ltmp2, $3  }
0xdc: {  	_ =	sdelay $0x1  }
0xdd: {  	[sflag:s13] =	ssyncset.done @!p0 $0x0  }
0xde: {  	[sflag:s13] =	ssyncadd.s32 @!p0 $0xFFFFF800  }
0xdf: {  	_ =	sfence.sel $0x180000  }
0xe0: {  	[bflag:$0x0] =	sbarrier.arrive $0xFFFF  }
0xe1: {  	_ =	strace $0x9000004A  }
0xe2: {  	s0 =	stileid.u32;
	[bflag:$0x2] =	sbarrier.arrive $0xFFFF  }
0xe3: {  	p0 =	sne.s32 s0, $0x0;
	s0 =	rddreg [dreg:$0x3]  }
0xe4: {  	s0 =	sadd.s32 @!p0 $0x100000, s0  }
0xe5: {  	[sflag:s0] =	ssyncadd.tile.s32 @!p0 $0x1;
	_ =	shalt  }
.Lfunc_end2:
_tile_overlayer_lowered:
.L_overlay_start_2:
0xe6: {  	(tag) =	ssettag $0x2  }
0xe7: {  	s0 =	rddreg [dreg:$0x0];
	s2 =	stileid.u32  }
0xe8: {  	s1 =	rddreg [dreg:$0x1];
	p0 =	sne.s32 s2, $0x0  }
0xe9: {  	s3 =	rddreg [dreg:$0x2];
	[bflag:$0x3] =	sbarrier.arrive $0xFFFF;
	s2 =	simm.s32 @!p0 $0x1C05  }
0xea: {  	[timem:s3], [sflag:s2] =	dma.local @!p0 [hbm:s0], s1  }
0xeb: {  	s0 =	simm.s32 @!p0 $0x5  }
0xec: {  	_ =	swait.ge @!p0 [sflag:s0], s1  }
0xed: {  	s1 =	ssub.s32 @!p0 $0x0, s1;
	[sflag:s0] =	ssyncset.done @!p0 $0x0  }
0xee: {  	[sflag:s0] =	ssyncadd.s32 @!p0 s1  }
0xef: {  	[bflag:$0x3] =	sbarrier.arrive $0xFFFF  }
0xf0: {  	_ =	shalt  }

</sc_bundles>
